<compile_context>
chip_gen: v7x
topology: tpu7x:2x2x1
jax: 0.10.2.dev20260603
libtpu: 0.0.44.dev20260713+nightly
codegen_flags: <defaults>
</compile_context>

<pallas_src>
import functools

import jax
import jax.numpy as jnp
from jax import lax
from jax.experimental import pallas as pl
from jax.experimental.pallas import tpu as pltpu
from jax.experimental.pallas import tpu_sc as plsc

_EDGE_DIM = 16
_NUM_CORES = 2
_NUM_SUBCORES = 16
_NUM_WORKERS = _NUM_CORES * _NUM_SUBCORES
_CHUNK = 2000


@jax.jit
def _lookup(idx, table):
    batch, num_edges = idx.shape
    b_per_w = num_edges // _NUM_WORKERS
    n_chunks = b_per_w // _CHUNK
    mesh = plsc.VectorSubcoreMesh(core_axis_name="c", subcore_axis_name="s")

    @functools.partial(
        pl.kernel,
        mesh=mesh,
        out_type=jax.ShapeDtypeStruct((batch, num_edges, _EDGE_DIM), jnp.float32),
        scratch_types=[
            pltpu.VMEM((6, _EDGE_DIM), jnp.float32),
            pltpu.VMEM_SHARED((16 * 6, _EDGE_DIM), jnp.float32),
            pltpu.VMEM((_CHUNK,), jnp.int32),
            pltpu.VMEM((_CHUNK, _EDGE_DIM), jnp.float32),
            pltpu.SemaphoreType.DMA,
        ],
        compiler_params=pltpu.CompilerParams(use_tc_tiling_on_sc=False),
    )
    def k(idx_hbm, table_hbm, out_hbm, table_v, table_sp, idx_v, rows_v, sem):
        sid = lax.axis_index("s")
        wid = sid * _NUM_CORES + lax.axis_index("c")
        base = wid * b_per_w

        @pl.when(sid == 0)
        def _():
            pltpu.sync_copy(table_hbm, table_v)
            for r in range(16):
                pltpu.sync_copy(table_v, table_sp.at[pl.ds(r * 6, 6)])

        plsc.subcore_barrier()
        my_table = table_sp.at[pl.ds(sid * 6, 6)]

        def body(i, carry):
            off = base + i * _CHUNK
            pltpu.sync_copy(idx_hbm.at[0, pl.ds(off, _CHUNK)], idx_v)
            pltpu.async_copy(my_table.at[idx_v], rows_v, sem).wait()
            pltpu.sync_copy(rows_v, out_hbm.at[0, pl.ds(off, _CHUNK)])
            return carry

        lax.fori_loop(0, n_chunks, body, 0)

    return k(idx, table)


def kernel(edge_types, table):
    if edge_types.dtype != jnp.int32:
        edge_types = edge_types.astype(jnp.int32)
    return _lookup(edge_types, table)

# --- scband reference (transcript-rebuilt; emitter-appended) ---
"""Pipeline reference for scband-edge-type-embedding-31550829756724 (READ-ONLY COPY).

The authoritative reference and input builder live on the scoring server;
editing this copy changes nothing except your own understanding.
"""

import jax, jax.numpy as jnp
import numpy as np

NUM_EDGE_TYPES = 6
EDGE_DIM = 16
BATCH = 1
NUM_EDGES = 3200000

def setup_inputs(seed: int = 0) -> dict:
    key = jax.random.key(seed)
    k1, k2 = jax.random.split(key)
    edge_types = jax.random.randint(k1, (BATCH, NUM_EDGES), 0, NUM_EDGE_TYPES, dtype=jnp.int64 if jax.config.jax_enable_x64 else jnp.int32)
    # nn.Embedding default init: N(0, 1)
    table = jax.random.normal(k2, (NUM_EDGE_TYPES, EDGE_DIM), dtype=jnp.float32)
    return {"edge_types": edge_types, "table": table}

def reference(edge_types, table):
    # nn.Embedding lookup: gather rows of the table by index
    return jnp.take(table, edge_types, axis=0)

if __name__ == "__main__":
    import jax
    _d = setup_inputs()
    print(jax.jit(kernel)(*tuple(_d.values())))

</pallas_src>

<mosaic_0001>
#map = affine_map<(d0, d1) -> (0, 0)>
#map1 = affine_map<(d0, d1) -> (0, 0, 0)>
module attributes {stable_mosaic.version = 14 : i64} {
  func.func @k(%arg0: i32, %arg1: i32, %arg2: memref<1x3200000xi32, #tpu.memory_space<hbm>>, %arg3: memref<6x16xf32, #tpu.memory_space<hbm>>, %arg4: memref<1x3200000x16xf32, #tpu.memory_space<hbm>>, %arg5: memref<6x16xf32, #tpu.memory_space<vmem>>, %arg6: memref<96x16xf32, #tpu.memory_space<vmem_shared>>, %arg7: memref<2000xi32, #tpu.memory_space<vmem>>, %arg8: memref<2000x16xf32, #tpu.memory_space<vmem>>, %arg9: memref<!tpu.dma_semaphore, #tpu.memory_space<semaphore_mem>>) attributes {dimension_semantics = [#tpu.dimension_semantics<core_parallel>, #tpu.dimension_semantics<subcore_parallel>], iteration_bounds = array<i64: 2, 16>, scalar_prefetch = 0 : i64, scratch_operands = 5 : i64, tpu.core_type = #tpu.core_type<sc_vector_subcore>, window_params = [{transform_indices = #map}, {transform_indices = #map}, {transform_indices = #map1}]} {
    %mul3A = arith.constant 2 : i32
    %mul3A_0 = arith.muli %arg1, %mul3A : i32
    %add3A = arith.addi %mul3A_0, %arg0 : i32
    %mul3A_1 = arith.constant 100000 : i32
    %mul3A_2 = arith.muli %add3A, %mul3A_1 : i32
    %eq3A = arith.constant 0 : i32
    %eq3A_3 = arith.cmpi eq, %arg1, %eq3A : i32
    %convert_element_type3A = arith.extui %eq3A_3 : i1 to i32
    %cond3A = arith.constant 0 : i32
    %cond3A_4 = arith.cmpi ne, %convert_element_type3A, %cond3A : i32
    scf.if %cond3A_4 {
      "tpu.region"() ({
        %run_scoped3A = tpu.sem_alloc : memref<!tpu.dma_semaphore, #tpu.memory_space<semaphore_mem>>
        tpu.enqueue_dma source(%arg3 : memref<6x16xf32, #tpu.memory_space<hbm>>) target(%arg5 : memref<6x16xf32, #tpu.memory_space<vmem>>) target_semaphore(%run_scoped3A : memref<!tpu.dma_semaphore, #tpu.memory_space<semaphore_mem>>)
        tpu.wait_dma2 semaphore(%run_scoped3A : memref<!tpu.dma_semaphore, #tpu.memory_space<semaphore_mem>>) src(%arg3 : memref<6x16xf32, #tpu.memory_space<hbm>>) dst(%arg5 : memref<6x16xf32, #tpu.memory_space<vmem>>)
        tpu.yield
      }) : () -> ()
      "tpu.region"() ({
        %run_scoped3A = tpu.sem_alloc : memref<!tpu.dma_semaphore, #tpu.memory_space<semaphore_mem>>
        %dma_start3A = arith.constant 0 : i32
        %dma_start3A_12 = arith.constant 0 : i32
        %dma_start3A_13 = tpu.memref_slice %arg6[%dma_start3A, %dma_start3A_12] : memref<96x16xf32, #tpu.memory_space<vmem_shared>> -> memref<6x16xf32, #tpu.memory_space<vmem_shared>>
        %dma_start3A_14 = arith.constant 0 : i32
        %dma_start3A_15 = arith.constant 0 : i32
        %dma_start3A_16 = tpu.memref_slice %arg6[%dma_start3A_14, %dma_start3A_15] : memref<96x16xf32, #tpu.memory_space<vmem_shared>> -> memref<6x16xf32, #tpu.memory_space<vmem_shared>>
        tpu.enqueue_dma source(%arg5 : memref<6x16xf32, #tpu.memory_space<vmem>>) target(%dma_start3A_16 : memref<6x16xf32, #tpu.memory_space<vmem_shared>>) target_semaphore(%run_scoped3A : memref<!tpu.dma_semaphore, #tpu.memory_space<semaphore_mem>>)
        %dma_wait3A = arith.constant 0 : i32
        %dma_wait3A_17 = arith.constant 0 : i32
        %dma_wait3A_18 = tpu.memref_slice %arg6[%dma_wait3A, %dma_wait3A_17] : memref<96x16xf32, #tpu.memory_space<vmem_shared>> -> memref<6x16xf32, #tpu.memory_space<vmem_shared>>
        %dma_wait3A_19 = arith.constant 0 : i32
        %dma_wait3A_20 = arith.constant 0 : i32
        %dma_wait3A_21 = tpu.memref_slice %arg6[%dma_wait3A_19, %dma_wait3A_20] : memref<96x16xf32, #tpu.memory_space<vmem_shared>> -> memref<6x16xf32, #tpu.memory_space<vmem_shared>>
        tpu.wait_dma2 semaphore(%run_scoped3A : memref<!tpu.dma_semaphore, #tpu.memory_space<semaphore_mem>>) src(%arg5 : memref<6x16xf32, #tpu.memory_space<vmem>>) dst(%dma_wait3A_21 : memref<6x16xf32, #tpu.memory_space<vmem_shared>>)
        tpu.yield
      }) : () -> ()
      "tpu.region"() ({
        %run_scoped3A = tpu.sem_alloc : memref<!tpu.dma_semaphore, #tpu.memory_space<semaphore_mem>>
        %dma_start3A = arith.constant 6 : i32
        %dma_start3A_12 = arith.constant 0 : i32
        %dma_start3A_13 = tpu.memref_slice %arg6[%dma_start3A, %dma_start3A_12] : memref<96x16xf32, #tpu.memory_space<vmem_shared>> -> memref<6x16xf32, #tpu.memory_space<vmem_shared>>
        %dma_start3A_14 = arith.constant 6 : i32
        %dma_start3A_15 = arith.constant 0 : i32
        %dma_start3A_16 = tpu.memref_slice %arg6[%dma_start3A_14, %dma_start3A_15] : memref<96x16xf32, #tpu.memory_space<vmem_shared>> -> memref<6x16xf32, #tpu.memory_space<vmem_shared>>
        tpu.enqueue_dma source(%arg5 : memref<6x16xf32, #tpu.memory_space<vmem>>) target(%dma_start3A_16 : memref<6x16xf32, #tpu.memory_space<vmem_shared>>) target_semaphore(%run_scoped3A : memref<!tpu.dma_semaphore, #tpu.memory_space<semaphore_mem>>)
        %dma_wait3A = arith.constant 6 : i32
        %dma_wait3A_17 = arith.constant 0 : i32
        %dma_wait3A_18 = tpu.memref_slice %arg6[%dma_wait3A, %dma_wait3A_17] : memref<96x16xf32, #tpu.memory_space<vmem_shared>> -> memref<6x16xf32, #tpu.memory_space<vmem_shared>>
        %dma_wait3A_19 = arith.constant 6 : i32
        %dma_wait3A_20 = arith.constant 0 : i32
        %dma_wait3A_21 = tpu.memref_slice %arg6[%dma_wait3A_19, %dma_wait3A_20] : memref<96x16xf32, #tpu.memory_space<vmem_shared>> -> memref<6x16xf32, #tpu.memory_space<vmem_shared>>
        tpu.wait_dma2 semaphore(%run_scoped3A : memref<!tpu.dma_semaphore, #tpu.memory_space<semaphore_mem>>) src(%arg5 : memref<6x16xf32, #tpu.memory_space<vmem>>) dst(%dma_wait3A_21 : memref<6x16xf32, #tpu.memory_space<vmem_shared>>)
        tpu.yield
      }) : () -> ()
      "tpu.region"() ({
        %run_scoped3A = tpu.sem_alloc : memref<!tpu.dma_semaphore, #tpu.memory_space<semaphore_mem>>
        %dma_start3A = arith.constant 12 : i32
        %dma_start3A_12 = arith.constant 0 : i32
        %dma_start3A_13 = tpu.memref_slice %arg6[%dma_start3A, %dma_start3A_12] : memref<96x16xf32, #tpu.memory_space<vmem_shared>> -> memref<6x16xf32, #tpu.memory_space<vmem_shared>>
        %dma_start3A_14 = arith.constant 12 : i32
        %dma_start3A_15 = arith.constant 0 : i32
        %dma_start3A_16 = tpu.memref_slice %arg6[%dma_start3A_14, %dma_start3A_15] : memref<96x16xf32, #tpu.memory_space<vmem_shared>> -> memref<6x16xf32, #tpu.memory_space<vmem_shared>>
        tpu.enqueue_dma source(%arg5 : memref<6x16xf32, #tpu.memory_space<vmem>>) target(%dma_start3A_16 : memref<6x16xf32, #tpu.memory_space<vmem_shared>>) target_semaphore(%run_scoped3A : memref<!tpu.dma_semaphore, #tpu.memory_space<semaphore_mem>>)
        %dma_wait3A = arith.constant 12 : i32
        %dma_wait3A_17 = arith.constant 0 : i32
        %dma_wait3A_18 = tpu.memref_slice %arg6[%dma_wait3A, %dma_wait3A_17] : memref<96x16xf32, #tpu.memory_space<vmem_shared>> -> memref<6x16xf32, #tpu.memory_space<vmem_shared>>
        %dma_wait3A_19 = arith.constant 12 : i32
        %dma_wait3A_20 = arith.constant 0 : i32
        %dma_wait3A_21 = tpu.memref_slice %arg6[%dma_wait3A_19, %dma_wait3A_20] : memref<96x16xf32, #tpu.memory_space<vmem_shared>> -> memref<6x16xf32, #tpu.memory_space<vmem_shared>>
        tpu.wait_dma2 semaphore(%run_scoped3A : memref<!tpu.dma_semaphore, #tpu.memory_space<semaphore_mem>>) src(%arg5 : memref<6x16xf32, #tpu.memory_space<vmem>>) dst(%dma_wait3A_21 : memref<6x16xf32, #tpu.memory_space<vmem_shared>>)
        tpu.yield
      }) : () -> ()
      "tpu.region"() ({
        %run_scoped3A = tpu.sem_alloc : memref<!tpu.dma_semaphore, #tpu.memory_space<semaphore_mem>>
        %dma_start3A = arith.constant 18 : i32
        %dma_start3A_12 = arith.constant 0 : i32
        %dma_start3A_13 = tpu.memref_slice %arg6[%dma_start3A, %dma_start3A_12] : memref<96x16xf32, #tpu.memory_space<vmem_shared>> -> memref<6x16xf32, #tpu.memory_space<vmem_shared>>
        %dma_start3A_14 = arith.constant 18 : i32
        %dma_start3A_15 = arith.constant 0 : i32
        %dma_start3A_16 = tpu.memref_slice %arg6[%dma_start3A_14, %dma_start3A_15] : memref<96x16xf32, #tpu.memory_space<vmem_shared>> -> memref<6x16xf32, #tpu.memory_space<vmem_shared>>
        tpu.enqueue_dma source(%arg5 : memref<6x16xf32, #tpu.memory_space<vmem>>) target(%dma_start3A_16 : memref<6x16xf32, #tpu.memory_space<vmem_shared>>) target_semaphore(%run_scoped3A : memref<!tpu.dma_semaphore, #tpu.memory_space<semaphore_mem>>)
        %dma_wait3A = arith.constant 18 : i32
        %dma_wait3A_17 = arith.constant 0 : i32
        %dma_wait3A_18 = tpu.memref_slice %arg6[%dma_wait3A, %dma_wait3A_17] : memref<96x16xf32, #tpu.memory_space<vmem_shared>> -> memref<6x16xf32, #tpu.memory_space<vmem_shared>>
        %dma_wait3A_19 = arith.constant 18 : i32
        %dma_wait3A_20 = arith.constant 0 : i32
        %dma_wait3A_21 = tpu.memref_slice %arg6[%dma_wait3A_19, %dma_wait3A_20] : memref<96x16xf32, #tpu.memory_space<vmem_shared>> -> memref<6x16xf32, #tpu.memory_space<vmem_shared>>
        tpu.wait_dma2 semaphore(%run_scoped3A : memref<!tpu.dma_semaphore, #tpu.memory_space<semaphore_mem>>) src(%arg5 : memref<6x16xf32, #tpu.memory_space<vmem>>) dst(%dma_wait3A_21 : memref<6x16xf32, #tpu.memory_space<vmem_shared>>)
        tpu.yield
      }) : () -> ()
      "tpu.region"() ({
        %run_scoped3A = tpu.sem_alloc : memref<!tpu.dma_semaphore, #tpu.memory_space<semaphore_mem>>
        %dma_start3A = arith.constant 24 : i32
        %dma_start3A_12 = arith.constant 0 : i32
        %dma_start3A_13 = tpu.memref_slice %arg6[%dma_start3A, %dma_start3A_12] : memref<96x16xf32, #tpu.memory_space<vmem_shared>> -> memref<6x16xf32, #tpu.memory_space<vmem_shared>>
        %dma_start3A_14 = arith.constant 24 : i32
        %dma_start3A_15 = arith.constant 0 : i32
        %dma_start3A_16 = tpu.memref_slice %arg6[%dma_start3A_14, %dma_start3A_15] : memref<96x16xf32, #tpu.memory_space<vmem_shared>> -> memref<6x16xf32, #tpu.memory_space<vmem_shared>>
        tpu.enqueue_dma source(%arg5 : memref<6x16xf32, #tpu.memory_space<vmem>>) target(%dma_start3A_16 : memref<6x16xf32, #tpu.memory_space<vmem_shared>>) target_semaphore(%run_scoped3A : memref<!tpu.dma_semaphore, #tpu.memory_space<semaphore_mem>>)
        %dma_wait3A = arith.constant 24 : i32
        %dma_wait3A_17 = arith.constant 0 : i32
        %dma_wait3A_18 = tpu.memref_slice %arg6[%dma_wait3A, %dma_wait3A_17] : memref<96x16xf32, #tpu.memory_space<vmem_shared>> -> memref<6x16xf32, #tpu.memory_space<vmem_shared>>
        %dma_wait3A_19 = arith.constant 24 : i32
        %dma_wait3A_20 = arith.constant 0 : i32
        %dma_wait3A_21 = tpu.memref_slice %arg6[%dma_wait3A_19, %dma_wait3A_20] : memref<96x16xf32, #tpu.memory_space<vmem_shared>> -> memref<6x16xf32, #tpu.memory_space<vmem_shared>>
        tpu.wait_dma2 semaphore(%run_scoped3A : memref<!tpu.dma_semaphore, #tpu.memory_space<semaphore_mem>>) src(%arg5 : memref<6x16xf32, #tpu.memory_space<vmem>>) dst(%dma_wait3A_21 : memref<6x16xf32, #tpu.memory_space<vmem_shared>>)
        tpu.yield
      }) : () -> ()
      "tpu.region"() ({
        %run_scoped3A = tpu.sem_alloc : memref<!tpu.dma_semaphore, #tpu.memory_space<semaphore_mem>>
        %dma_start3A = arith.constant 30 : i32
        %dma_start3A_12 = arith.constant 0 : i32
        %dma_start3A_13 = tpu.memref_slice %arg6[%dma_start3A, %dma_start3A_12] : memref<96x16xf32, #tpu.memory_space<vmem_shared>> -> memref<6x16xf32, #tpu.memory_space<vmem_shared>>
        %dma_start3A_14 = arith.constant 30 : i32
        %dma_start3A_15 = arith.constant 0 : i32
        %dma_start3A_16 = tpu.memref_slice %arg6[%dma_start3A_14, %dma_start3A_15] : memref<96x16xf32, #tpu.memory_space<vmem_shared>> -> memref<6x16xf32, #tpu.memory_space<vmem_shared>>
        tpu.enqueue_dma source(%arg5 : memref<6x16xf32, #tpu.memory_space<vmem>>) target(%dma_start3A_16 : memref<6x16xf32, #tpu.memory_space<vmem_shared>>) target_semaphore(%run_scoped3A : memref<!tpu.dma_semaphore, #tpu.memory_space<semaphore_mem>>)
        %dma_wait3A = arith.constant 30 : i32
        %dma_wait3A_17 = arith.constant 0 : i32
        %dma_wait3A_18 = tpu.memref_slice %arg6[%dma_wait3A, %dma_wait3A_17] : memref<96x16xf32, #tpu.memory_space<vmem_shared>> -> memref<6x16xf32, #tpu.memory_space<vmem_shared>>
        %dma_wait3A_19 = arith.constant 30 : i32
        %dma_wait3A_20 = arith.constant 0 : i32
        %dma_wait3A_21 = tpu.memref_slice %arg6[%dma_wait3A_19, %dma_wait3A_20] : memref<96x16xf32, #tpu.memory_space<vmem_shared>> -> memref<6x16xf32, #tpu.memory_space<vmem_shared>>
        tpu.wait_dma2 semaphore(%run_scoped3A : memref<!tpu.dma_semaphore, #tpu.memory_space<semaphore_mem>>) src(%arg5 : memref<6x16xf32, #tpu.memory_space<vmem>>) dst(%dma_wait3A_21 : memref<6x16xf32, #tpu.memory_space<vmem_shared>>)
        tpu.yield
      }) : () -> ()
      "tpu.region"() ({
        %run_scoped3A = tpu.sem_alloc : memref<!tpu.dma_semaphore, #tpu.memory_space<semaphore_mem>>
        %dma_start3A = arith.constant 36 : i32
        %dma_start3A_12 = arith.constant 0 : i32
        %dma_start3A_13 = tpu.memref_slice %arg6[%dma_start3A, %dma_start3A_12] : memref<96x16xf32, #tpu.memory_space<vmem_shared>> -> memref<6x16xf32, #tpu.memory_space<vmem_shared>>
        %dma_start3A_14 = arith.constant 36 : i32
        %dma_start3A_15 = arith.constant 0 : i32
        %dma_start3A_16 = tpu.memref_slice %arg6[%dma_start3A_14, %dma_start3A_15] : memref<96x16xf32, #tpu.memory_space<vmem_shared>> -> memref<6x16xf32, #tpu.memory_space<vmem_shared>>
        tpu.enqueue_dma source(%arg5 : memref<6x16xf32, #tpu.memory_space<vmem>>) target(%dma_start3A_16 : memref<6x16xf32, #tpu.memory_space<vmem_shared>>) target_semaphore(%run_scoped3A : memref<!tpu.dma_semaphore, #tpu.memory_space<semaphore_mem>>)
        %dma_wait3A = arith.constant 36 : i32
        %dma_wait3A_17 = arith.constant 0 : i32
        %dma_wait3A_18 = tpu.memref_slice %arg6[%dma_wait3A, %dma_wait3A_17] : memref<96x16xf32, #tpu.memory_space<vmem_shared>> -> memref<6x16xf32, #tpu.memory_space<vmem_shared>>
        %dma_wait3A_19 = arith.constant 36 : i32
        %dma_wait3A_20 = arith.constant 0 : i32
        %dma_wait3A_21 = tpu.memref_slice %arg6[%dma_wait3A_19, %dma_wait3A_20] : memref<96x16xf32, #tpu.memory_space<vmem_shared>> -> memref<6x16xf32, #tpu.memory_space<vmem_shared>>
        tpu.wait_dma2 semaphore(%run_scoped3A : memref<!tpu.dma_semaphore, #tpu.memory_space<semaphore_mem>>) src(%arg5 : memref<6x16xf32, #tpu.memory_space<vmem>>) dst(%dma_wait3A_21 : memref<6x16xf32, #tpu.memory_space<vmem_shared>>)
        tpu.yield
      }) : () -> ()
      "tpu.region"() ({
        %run_scoped3A = tpu.sem_alloc : memref<!tpu.dma_semaphore, #tpu.memory_space<semaphore_mem>>
        %dma_start3A = arith.constant 42 : i32
        %dma_start3A_12 = arith.constant 0 : i32
        %dma_start3A_13 = tpu.memref_slice %arg6[%dma_start3A, %dma_start3A_12] : memref<96x16xf32, #tpu.memory_space<vmem_shared>> -> memref<6x16xf32, #tpu.memory_space<vmem_shared>>
        %dma_start3A_14 = arith.constant 42 : i32
        %dma_start3A_15 = arith.constant 0 : i32
        %dma_start3A_16 = tpu.memref_slice %arg6[%dma_start3A_14, %dma_start3A_15] : memref<96x16xf32, #tpu.memory_space<vmem_shared>> -> memref<6x16xf32, #tpu.memory_space<vmem_shared>>
        tpu.enqueue_dma source(%arg5 : memref<6x16xf32, #tpu.memory_space<vmem>>) target(%dma_start3A_16 : memref<6x16xf32, #tpu.memory_space<vmem_shared>>) target_semaphore(%run_scoped3A : memref<!tpu.dma_semaphore, #tpu.memory_space<semaphore_mem>>)
        %dma_wait3A = arith.constant 42 : i32
        %dma_wait3A_17 = arith.constant 0 : i32
        %dma_wait3A_18 = tpu.memref_slice %arg6[%dma_wait3A, %dma_wait3A_17] : memref<96x16xf32, #tpu.memory_space<vmem_shared>> -> memref<6x16xf32, #tpu.memory_space<vmem_shared>>
        %dma_wait3A_19 = arith.constant 42 : i32
        %dma_wait3A_20 = arith.constant 0 : i32
        %dma_wait3A_21 = tpu.memref_slice %arg6[%dma_wait3A_19, %dma_wait3A_20] : memref<96x16xf32, #tpu.memory_space<vmem_shared>> -> memref<6x16xf32, #tpu.memory_space<vmem_shared>>
        tpu.wait_dma2 semaphore(%run_scoped3A : memref<!tpu.dma_semaphore, #tpu.memory_space<semaphore_mem>>) src(%arg5 : memref<6x16xf32, #tpu.memory_space<vmem>>) dst(%dma_wait3A_21 : memref<6x16xf32, #tpu.memory_space<vmem_shared>>)
        tpu.yield
      }) : () -> ()
      "tpu.region"() ({
        %run_scoped3A = tpu.sem_alloc : memref<!tpu.dma_semaphore, #tpu.memory_space<semaphore_mem>>
        %dma_start3A = arith.constant 48 : i32
        %dma_start3A_12 = arith.constant 0 : i32
        %dma_start3A_13 = tpu.memref_slice %arg6[%dma_start3A, %dma_start3A_12] : memref<96x16xf32, #tpu.memory_space<vmem_shared>> -> memref<6x16xf32, #tpu.memory_space<vmem_shared>>
        %dma_start3A_14 = arith.constant 48 : i32
        %dma_start3A_15 = arith.constant 0 : i32
        %dma_start3A_16 = tpu.memref_slice %arg6[%dma_start3A_14, %dma_start3A_15] : memref<96x16xf32, #tpu.memory_space<vmem_shared>> -> memref<6x16xf32, #tpu.memory_space<vmem_shared>>
        tpu.enqueue_dma source(%arg5 : memref<6x16xf32, #tpu.memory_space<vmem>>) target(%dma_start3A_16 : memref<6x16xf32, #tpu.memory_space<vmem_shared>>) target_semaphore(%run_scoped3A : memref<!tpu.dma_semaphore, #tpu.memory_space<semaphore_mem>>)
        %dma_wait3A = arith.constant 48 : i32
        %dma_wait3A_17 = arith.constant 0 : i32
        %dma_wait3A_18 = tpu.memref_slice %arg6[%dma_wait3A, %dma_wait3A_17] : memref<96x16xf32, #tpu.memory_space<vmem_shared>> -> memref<6x16xf32, #tpu.memory_space<vmem_shared>>
        %dma_wait3A_19 = arith.constant 48 : i32
        %dma_wait3A_20 = arith.constant 0 : i32
        %dma_wait3A_21 = tpu.memref_slice %arg6[%dma_wait3A_19, %dma_wait3A_20] : memref<96x16xf32, #tpu.memory_space<vmem_shared>> -> memref<6x16xf32, #tpu.memory_space<vmem_shared>>
        tpu.wait_dma2 semaphore(%run_scoped3A : memref<!tpu.dma_semaphore, #tpu.memory_space<semaphore_mem>>) src(%arg5 : memref<6x16xf32, #tpu.memory_space<vmem>>) dst(%dma_wait3A_21 : memref<6x16xf32, #tpu.memory_space<vmem_shared>>)
        tpu.yield
      }) : () -> ()
      "tpu.region"() ({
        %run_scoped3A = tpu.sem_alloc : memref<!tpu.dma_semaphore, #tpu.memory_space<semaphore_mem>>
        %dma_start3A = arith.constant 54 : i32
        %dma_start3A_12 = arith.constant 0 : i32
        %dma_start3A_13 = tpu.memref_slice %arg6[%dma_start3A, %dma_start3A_12] : memref<96x16xf32, #tpu.memory_space<vmem_shared>> -> memref<6x16xf32, #tpu.memory_space<vmem_shared>>
        %dma_start3A_14 = arith.constant 54 : i32
        %dma_start3A_15 = arith.constant 0 : i32
        %dma_start3A_16 = tpu.memref_slice %arg6[%dma_start3A_14, %dma_start3A_15] : memref<96x16xf32, #tpu.memory_space<vmem_shared>> -> memref<6x16xf32, #tpu.memory_space<vmem_shared>>
        tpu.enqueue_dma source(%arg5 : memref<6x16xf32, #tpu.memory_space<vmem>>) target(%dma_start3A_16 : memref<6x16xf32, #tpu.memory_space<vmem_shared>>) target_semaphore(%run_scoped3A : memref<!tpu.dma_semaphore, #tpu.memory_space<semaphore_mem>>)
        %dma_wait3A = arith.constant 54 : i32
        %dma_wait3A_17 = arith.constant 0 : i32
        %dma_wait3A_18 = tpu.memref_slice %arg6[%dma_wait3A, %dma_wait3A_17] : memref<96x16xf32, #tpu.memory_space<vmem_shared>> -> memref<6x16xf32, #tpu.memory_space<vmem_shared>>
        %dma_wait3A_19 = arith.constant 54 : i32
        %dma_wait3A_20 = arith.constant 0 : i32
        %dma_wait3A_21 = tpu.memref_slice %arg6[%dma_wait3A_19, %dma_wait3A_20] : memref<96x16xf32, #tpu.memory_space<vmem_shared>> -> memref<6x16xf32, #tpu.memory_space<vmem_shared>>
        tpu.wait_dma2 semaphore(%run_scoped3A : memref<!tpu.dma_semaphore, #tpu.memory_space<semaphore_mem>>) src(%arg5 : memref<6x16xf32, #tpu.memory_space<vmem>>) dst(%dma_wait3A_21 : memref<6x16xf32, #tpu.memory_space<vmem_shared>>)
        tpu.yield
      }) : () -> ()
      "tpu.region"() ({
        %run_scoped3A = tpu.sem_alloc : memref<!tpu.dma_semaphore, #tpu.memory_space<semaphore_mem>>
        %dma_start3A = arith.constant 60 : i32
        %dma_start3A_12 = arith.constant 0 : i32
        %dma_start3A_13 = tpu.memref_slice %arg6[%dma_start3A, %dma_start3A_12] : memref<96x16xf32, #tpu.memory_space<vmem_shared>> -> memref<6x16xf32, #tpu.memory_space<vmem_shared>>
        %dma_start3A_14 = arith.constant 60 : i32
        %dma_start3A_15 = arith.constant 0 : i32
        %dma_start3A_16 = tpu.memref_slice %arg6[%dma_start3A_14, %dma_start3A_15] : memref<96x16xf32, #tpu.memory_space<vmem_shared>> -> memref<6x16xf32, #tpu.memory_space<vmem_shared>>
        tpu.enqueue_dma source(%arg5 : memref<6x16xf32, #tpu.memory_space<vmem>>) target(%dma_start3A_16 : memref<6x16xf32, #tpu.memory_space<vmem_shared>>) target_semaphore(%run_scoped3A : memref<!tpu.dma_semaphore, #tpu.memory_space<semaphore_mem>>)
        %dma_wait3A = arith.constant 60 : i32
        %dma_wait3A_17 = arith.constant 0 : i32
        %dma_wait3A_18 = tpu.memref_slice %arg6[%dma_wait3A, %dma_wait3A_17] : memref<96x16xf32, #tpu.memory_space<vmem_shared>> -> memref<6x16xf32, #tpu.memory_space<vmem_shared>>
        %dma_wait3A_19 = arith.constant 60 : i32
        %dma_wait3A_20 = arith.constant 0 : i32
        %dma_wait3A_21 = tpu.memref_slice %arg6[%dma_wait3A_19, %dma_wait3A_20] : memref<96x16xf32, #tpu.memory_space<vmem_shared>> -> memref<6x16xf32, #tpu.memory_space<vmem_shared>>
        tpu.wait_dma2 semaphore(%run_scoped3A : memref<!tpu.dma_semaphore, #tpu.memory_space<semaphore_mem>>) src(%arg5 : memref<6x16xf32, #tpu.memory_space<vmem>>) dst(%dma_wait3A_21 : memref<6x16xf32, #tpu.memory_space<vmem_shared>>)
        tpu.yield
      }) : () -> ()
      "tpu.region"() ({
        %run_scoped3A = tpu.sem_alloc : memref<!tpu.dma_semaphore, #tpu.memory_space<semaphore_mem>>
        %dma_start3A = arith.constant 66 : i32
        %dma_start3A_12 = arith.constant 0 : i32
        %dma_start3A_13 = tpu.memref_slice %arg6[%dma_start3A, %dma_start3A_12] : memref<96x16xf32, #tpu.memory_space<vmem_shared>> -> memref<6x16xf32, #tpu.memory_space<vmem_shared>>
        %dma_start3A_14 = arith.constant 66 : i32
        %dma_start3A_15 = arith.constant 0 : i32
        %dma_start3A_16 = tpu.memref_slice %arg6[%dma_start3A_14, %dma_start3A_15] : memref<96x16xf32, #tpu.memory_space<vmem_shared>> -> memref<6x16xf32, #tpu.memory_space<vmem_shared>>
        tpu.enqueue_dma source(%arg5 : memref<6x16xf32, #tpu.memory_space<vmem>>) target(%dma_start3A_16 : memref<6x16xf32, #tpu.memory_space<vmem_shared>>) target_semaphore(%run_scoped3A : memref<!tpu.dma_semaphore, #tpu.memory_space<semaphore_mem>>)
        %dma_wait3A = arith.constant 66 : i32
        %dma_wait3A_17 = arith.constant 0 : i32
        %dma_wait3A_18 = tpu.memref_slice %arg6[%dma_wait3A, %dma_wait3A_17] : memref<96x16xf32, #tpu.memory_space<vmem_shared>> -> memref<6x16xf32, #tpu.memory_space<vmem_shared>>
        %dma_wait3A_19 = arith.constant 66 : i32
        %dma_wait3A_20 = arith.constant 0 : i32
        %dma_wait3A_21 = tpu.memref_slice %arg6[%dma_wait3A_19, %dma_wait3A_20] : memref<96x16xf32, #tpu.memory_space<vmem_shared>> -> memref<6x16xf32, #tpu.memory_space<vmem_shared>>
        tpu.wait_dma2 semaphore(%run_scoped3A : memref<!tpu.dma_semaphore, #tpu.memory_space<semaphore_mem>>) src(%arg5 : memref<6x16xf32, #tpu.memory_space<vmem>>) dst(%dma_wait3A_21 : memref<6x16xf32, #tpu.memory_space<vmem_shared>>)
        tpu.yield
      }) : () -> ()
      "tpu.region"() ({
        %run_scoped3A = tpu.sem_alloc : memref<!tpu.dma_semaphore, #tpu.memory_space<semaphore_mem>>
        %dma_start3A = arith.constant 72 : i32
        %dma_start3A_12 = arith.constant 0 : i32
        %dma_start3A_13 = tpu.memref_slice %arg6[%dma_start3A, %dma_start3A_12] : memref<96x16xf32, #tpu.memory_space<vmem_shared>> -> memref<6x16xf32, #tpu.memory_space<vmem_shared>>
        %dma_start3A_14 = arith.constant 72 : i32
        %dma_start3A_15 = arith.constant 0 : i32
        %dma_start3A_16 = tpu.memref_slice %arg6[%dma_start3A_14, %dma_start3A_15] : memref<96x16xf32, #tpu.memory_space<vmem_shared>> -> memref<6x16xf32, #tpu.memory_space<vmem_shared>>
        tpu.enqueue_dma source(%arg5 : memref<6x16xf32, #tpu.memory_space<vmem>>) target(%dma_start3A_16 : memref<6x16xf32, #tpu.memory_space<vmem_shared>>) target_semaphore(%run_scoped3A : memref<!tpu.dma_semaphore, #tpu.memory_space<semaphore_mem>>)
        %dma_wait3A = arith.constant 72 : i32
        %dma_wait3A_17 = arith.constant 0 : i32
        %dma_wait3A_18 = tpu.memref_slice %arg6[%dma_wait3A, %dma_wait3A_17] : memref<96x16xf32, #tpu.memory_space<vmem_shared>> -> memref<6x16xf32, #tpu.memory_space<vmem_shared>>
        %dma_wait3A_19 = arith.constant 72 : i32
        %dma_wait3A_20 = arith.constant 0 : i32
        %dma_wait3A_21 = tpu.memref_slice %arg6[%dma_wait3A_19, %dma_wait3A_20] : memref<96x16xf32, #tpu.memory_space<vmem_shared>> -> memref<6x16xf32, #tpu.memory_space<vmem_shared>>
        tpu.wait_dma2 semaphore(%run_scoped3A : memref<!tpu.dma_semaphore, #tpu.memory_space<semaphore_mem>>) src(%arg5 : memref<6x16xf32, #tpu.memory_space<vmem>>) dst(%dma_wait3A_21 : memref<6x16xf32, #tpu.memory_space<vmem_shared>>)
        tpu.yield
      }) : () -> ()
      "tpu.region"() ({
        %run_scoped3A = tpu.sem_alloc : memref<!tpu.dma_semaphore, #tpu.memory_space<semaphore_mem>>
        %dma_start3A = arith.constant 78 : i32
        %dma_start3A_12 = arith.constant 0 : i32
        %dma_start3A_13 = tpu.memref_slice %arg6[%dma_start3A, %dma_start3A_12] : memref<96x16xf32, #tpu.memory_space<vmem_shared>> -> memref<6x16xf32, #tpu.memory_space<vmem_shared>>
        %dma_start3A_14 = arith.constant 78 : i32
        %dma_start3A_15 = arith.constant 0 : i32
        %dma_start3A_16 = tpu.memref_slice %arg6[%dma_start3A_14, %dma_start3A_15] : memref<96x16xf32, #tpu.memory_space<vmem_shared>> -> memref<6x16xf32, #tpu.memory_space<vmem_shared>>
        tpu.enqueue_dma source(%arg5 : memref<6x16xf32, #tpu.memory_space<vmem>>) target(%dma_start3A_16 : memref<6x16xf32, #tpu.memory_space<vmem_shared>>) target_semaphore(%run_scoped3A : memref<!tpu.dma_semaphore, #tpu.memory_space<semaphore_mem>>)
        %dma_wait3A = arith.constant 78 : i32
        %dma_wait3A_17 = arith.constant 0 : i32
        %dma_wait3A_18 = tpu.memref_slice %arg6[%dma_wait3A, %dma_wait3A_17] : memref<96x16xf32, #tpu.memory_space<vmem_shared>> -> memref<6x16xf32, #tpu.memory_space<vmem_shared>>
        %dma_wait3A_19 = arith.constant 78 : i32
        %dma_wait3A_20 = arith.constant 0 : i32
        %dma_wait3A_21 = tpu.memref_slice %arg6[%dma_wait3A_19, %dma_wait3A_20] : memref<96x16xf32, #tpu.memory_space<vmem_shared>> -> memref<6x16xf32, #tpu.memory_space<vmem_shared>>
        tpu.wait_dma2 semaphore(%run_scoped3A : memref<!tpu.dma_semaphore, #tpu.memory_space<semaphore_mem>>) src(%arg5 : memref<6x16xf32, #tpu.memory_space<vmem>>) dst(%dma_wait3A_21 : memref<6x16xf32, #tpu.memory_space<vmem_shared>>)
        tpu.yield
      }) : () -> ()
      "tpu.region"() ({
        %run_scoped3A = tpu.sem_alloc : memref<!tpu.dma_semaphore, #tpu.memory_space<semaphore_mem>>
        %dma_start3A = arith.constant 84 : i32
        %dma_start3A_12 = arith.constant 0 : i32
        %dma_start3A_13 = tpu.memref_slice %arg6[%dma_start3A, %dma_start3A_12] : memref<96x16xf32, #tpu.memory_space<vmem_shared>> -> memref<6x16xf32, #tpu.memory_space<vmem_shared>>
        %dma_start3A_14 = arith.constant 84 : i32
        %dma_start3A_15 = arith.constant 0 : i32
        %dma_start3A_16 = tpu.memref_slice %arg6[%dma_start3A_14, %dma_start3A_15] : memref<96x16xf32, #tpu.memory_space<vmem_shared>> -> memref<6x16xf32, #tpu.memory_space<vmem_shared>>
        tpu.enqueue_dma source(%arg5 : memref<6x16xf32, #tpu.memory_space<vmem>>) target(%dma_start3A_16 : memref<6x16xf32, #tpu.memory_space<vmem_shared>>) target_semaphore(%run_scoped3A : memref<!tpu.dma_semaphore, #tpu.memory_space<semaphore_mem>>)
        %dma_wait3A = arith.constant 84 : i32
        %dma_wait3A_17 = arith.constant 0 : i32
        %dma_wait3A_18 = tpu.memref_slice %arg6[%dma_wait3A, %dma_wait3A_17] : memref<96x16xf32, #tpu.memory_space<vmem_shared>> -> memref<6x16xf32, #tpu.memory_space<vmem_shared>>
        %dma_wait3A_19 = arith.constant 84 : i32
        %dma_wait3A_20 = arith.constant 0 : i32
        %dma_wait3A_21 = tpu.memref_slice %arg6[%dma_wait3A_19, %dma_wait3A_20] : memref<96x16xf32, #tpu.memory_space<vmem_shared>> -> memref<6x16xf32, #tpu.memory_space<vmem_shared>>
        tpu.wait_dma2 semaphore(%run_scoped3A : memref<!tpu.dma_semaphore, #tpu.memory_space<semaphore_mem>>) src(%arg5 : memref<6x16xf32, #tpu.memory_space<vmem>>) dst(%dma_wait3A_21 : memref<6x16xf32, #tpu.memory_space<vmem_shared>>)
        tpu.yield
      }) : () -> ()
      "tpu.region"() ({
        %run_scoped3A = tpu.sem_alloc : memref<!tpu.dma_semaphore, #tpu.memory_space<semaphore_mem>>
        %dma_start3A = arith.constant 90 : i32
        %dma_start3A_12 = arith.constant 0 : i32
        %dma_start3A_13 = tpu.memref_slice %arg6[%dma_start3A, %dma_start3A_12] : memref<96x16xf32, #tpu.memory_space<vmem_shared>> -> memref<6x16xf32, #tpu.memory_space<vmem_shared>>
        %dma_start3A_14 = arith.constant 90 : i32
        %dma_start3A_15 = arith.constant 0 : i32
        %dma_start3A_16 = tpu.memref_slice %arg6[%dma_start3A_14, %dma_start3A_15] : memref<96x16xf32, #tpu.memory_space<vmem_shared>> -> memref<6x16xf32, #tpu.memory_space<vmem_shared>>
        tpu.enqueue_dma source(%arg5 : memref<6x16xf32, #tpu.memory_space<vmem>>) target(%dma_start3A_16 : memref<6x16xf32, #tpu.memory_space<vmem_shared>>) target_semaphore(%run_scoped3A : memref<!tpu.dma_semaphore, #tpu.memory_space<semaphore_mem>>)
        %dma_wait3A = arith.constant 90 : i32
        %dma_wait3A_17 = arith.constant 0 : i32
        %dma_wait3A_18 = tpu.memref_slice %arg6[%dma_wait3A, %dma_wait3A_17] : memref<96x16xf32, #tpu.memory_space<vmem_shared>> -> memref<6x16xf32, #tpu.memory_space<vmem_shared>>
        %dma_wait3A_19 = arith.constant 90 : i32
        %dma_wait3A_20 = arith.constant 0 : i32
        %dma_wait3A_21 = tpu.memref_slice %arg6[%dma_wait3A_19, %dma_wait3A_20] : memref<96x16xf32, #tpu.memory_space<vmem_shared>> -> memref<6x16xf32, #tpu.memory_space<vmem_shared>>
        tpu.wait_dma2 semaphore(%run_scoped3A : memref<!tpu.dma_semaphore, #tpu.memory_space<semaphore_mem>>) src(%arg5 : memref<6x16xf32, #tpu.memory_space<vmem>>) dst(%dma_wait3A_21 : memref<6x16xf32, #tpu.memory_space<vmem_shared>>)
        tpu.yield
      }) : () -> ()
    } else {
    }
    %barrier3A = arith.constant 0 : index
    tpu.barrier barrier_id(%barrier3A)
    %mul3A_5 = arith.constant 6 : i32
    %mul3A_6 = arith.muli %arg1, %mul3A_5 : i32
    %scan3A = arith.constant 0 : i32
    %scan3A_7 = arith.constant 0 : i32
    %scan3A_8 = arith.constant 50 : i32
    %scan3A_9 = arith.addi %scan3A_7, %scan3A_8 : i32
    %scan3A_10 = arith.constant 1 : i32
    scf.for %scan3A_12 = %scan3A_7 to %scan3A_9 step %scan3A_10  : i32 {
      %mul3A_13 = arith.constant 2000 : i32
      %mul3A_14 = arith.muli %scan3A_12, %mul3A_13 : i32
      %add3A_15 = arith.addi %mul3A_2, %mul3A_14 : i32
      %run_scoped3A = arith.constant 0 : i32
      "tpu.region"() ({
        %run_scoped3A_25 = tpu.sem_alloc : memref<!tpu.dma_semaphore, #tpu.memory_space<semaphore_mem>>
        %dma_start3A_26 = tpu.memref_slice %arg2[%run_scoped3A, %add3A_15] : memref<1x3200000xi32, #tpu.memory_space<hbm>> -> memref<1x2000xi32, #tpu.memory_space<hbm>>
        %dma_start3A_27 = tpu.memref_squeeze %dma_start3A_26 : memref<1x2000xi32, #tpu.memory_space<hbm>> -> memref<2000xi32, #tpu.memory_space<hbm>>
        %dma_start3A_28 = tpu.memref_slice %arg2[%run_scoped3A, %add3A_15] : memref<1x3200000xi32, #tpu.memory_space<hbm>> -> memref<1x2000xi32, #tpu.memory_space<hbm>>
        %dma_start3A_29 = tpu.memref_squeeze %dma_start3A_28 : memref<1x2000xi32, #tpu.memory_space<hbm>> -> memref<2000xi32, #tpu.memory_space<hbm>>
        tpu.enqueue_dma source(%dma_start3A_29 : memref<2000xi32, #tpu.memory_space<hbm>>) target(%arg7 : memref<2000xi32, #tpu.memory_space<vmem>>) target_semaphore(%run_scoped3A_25 : memref<!tpu.dma_semaphore, #tpu.memory_space<semaphore_mem>>)
        %dma_wait3A_30 = tpu.memref_slice %arg2[%run_scoped3A, %add3A_15] : memref<1x3200000xi32, #tpu.memory_space<hbm>> -> memref<1x2000xi32, #tpu.memory_space<hbm>>
        %dma_wait3A_31 = tpu.memref_squeeze %dma_wait3A_30 : memref<1x2000xi32, #tpu.memory_space<hbm>> -> memref<2000xi32, #tpu.memory_space<hbm>>
        %dma_wait3A_32 = tpu.memref_slice %arg2[%run_scoped3A, %add3A_15] : memref<1x3200000xi32, #tpu.memory_space<hbm>> -> memref<1x2000xi32, #tpu.memory_space<hbm>>
        %dma_wait3A_33 = tpu.memref_squeeze %dma_wait3A_32 : memref<1x2000xi32, #tpu.memory_space<hbm>> -> memref<2000xi32, #tpu.memory_space<hbm>>
        tpu.wait_dma2 semaphore(%run_scoped3A_25 : memref<!tpu.dma_semaphore, #tpu.memory_space<semaphore_mem>>) src(%dma_wait3A_33 : memref<2000xi32, #tpu.memory_space<hbm>>) dst(%arg7 : memref<2000xi32, #tpu.memory_space<vmem>>)
        tpu.yield
      }) : () -> ()
      %dma_start3A = arith.constant 0 : i32
      %dma_start3A_16 = tpu.memref_slice %arg6[%mul3A_6, %dma_start3A] : memref<96x16xf32, #tpu.memory_space<vmem_shared>> -> memref<6x16xf32, #tpu.memory_space<vmem_shared>>
      %dma_start3A_17 = arith.constant 0 : i32
      %dma_start3A_18 = arith.constant 0 : i32
      %dma_start3A_19 = tpu.memref_slice %dma_start3A_16[%dma_start3A_17, %dma_start3A_18] : memref<6x16xf32, #tpu.memory_space<vmem_shared>> -> memref<6x16xf32, #tpu.memory_space<vmem_shared>>
      tpu.enqueue_indirect_dma source(%dma_start3A_19 : memref<6x16xf32, #tpu.memory_space<vmem_shared>>) target(%arg8 : memref<2000x16xf32, #tpu.memory_space<vmem>>) offsets(%arg7 : memref<2000xi32, #tpu.memory_space<vmem>>) semaphore(%arg9 : memref<!tpu.dma_semaphore, #tpu.memory_space<semaphore_mem>>)
      %dma_wait3A = arith.constant 0 : i32
      %dma_wait3A_20 = tpu.memref_slice %arg6[%mul3A_6, %dma_wait3A] : memref<96x16xf32, #tpu.memory_space<vmem_shared>> -> memref<6x16xf32, #tpu.memory_space<vmem_shared>>
      %dma_wait3A_21 = arith.constant 0 : i32
      %dma_wait3A_22 = arith.constant 0 : i32
      %dma_wait3A_23 = tpu.memref_slice %dma_wait3A_20[%dma_wait3A_21, %dma_wait3A_22] : memref<6x16xf32, #tpu.memory_space<vmem_shared>> -> memref<6x16xf32, #tpu.memory_space<vmem_shared>>
      tpu.wait_indirect_dma semaphore(%arg9 : memref<!tpu.dma_semaphore, #tpu.memory_space<semaphore_mem>>) src(%dma_wait3A_23 : memref<6x16xf32, #tpu.memory_space<vmem_shared>>) dst(%arg8 : memref<2000x16xf32, #tpu.memory_space<vmem>>)
      %run_scoped3A_24 = arith.constant 0 : i32
      "tpu.region"() ({
        %run_scoped3A_25 = tpu.sem_alloc : memref<!tpu.dma_semaphore, #tpu.memory_space<semaphore_mem>>
        %dma_start3A_26 = arith.constant 0 : i32
        %dma_start3A_27 = tpu.memref_slice %arg4[%run_scoped3A_24, %add3A_15, %dma_start3A_26] : memref<1x3200000x16xf32, #tpu.memory_space<hbm>> -> memref<1x2000x16xf32, #tpu.memory_space<hbm>>
        %dma_start3A_28 = tpu.memref_squeeze %dma_start3A_27 : memref<1x2000x16xf32, #tpu.memory_space<hbm>> -> memref<2000x16xf32, #tpu.memory_space<hbm>>
        %dma_start3A_29 = arith.constant 0 : i32
        %dma_start3A_30 = tpu.memref_slice %arg4[%run_scoped3A_24, %add3A_15, %dma_start3A_29] : memref<1x3200000x16xf32, #tpu.memory_space<hbm>> -> memref<1x2000x16xf32, #tpu.memory_space<hbm>>
        %dma_start3A_31 = tpu.memref_squeeze %dma_start3A_30 : memref<1x2000x16xf32, #tpu.memory_space<hbm>> -> memref<2000x16xf32, #tpu.memory_space<hbm>>
        tpu.enqueue_dma source(%arg8 : memref<2000x16xf32, #tpu.memory_space<vmem>>) target(%dma_start3A_31 : memref<2000x16xf32, #tpu.memory_space<hbm>>) target_semaphore(%run_scoped3A_25 : memref<!tpu.dma_semaphore, #tpu.memory_space<semaphore_mem>>)
        %dma_wait3A_32 = arith.constant 0 : i32
        %dma_wait3A_33 = tpu.memref_slice %arg4[%run_scoped3A_24, %add3A_15, %dma_wait3A_32] : memref<1x3200000x16xf32, #tpu.memory_space<hbm>> -> memref<1x2000x16xf32, #tpu.memory_space<hbm>>
        %dma_wait3A_34 = tpu.memref_squeeze %dma_wait3A_33 : memref<1x2000x16xf32, #tpu.memory_space<hbm>> -> memref<2000x16xf32, #tpu.memory_space<hbm>>
        %dma_wait3A_35 = arith.constant 0 : i32
        %dma_wait3A_36 = tpu.memref_slice %arg4[%run_scoped3A_24, %add3A_15, %dma_wait3A_35] : memref<1x3200000x16xf32, #tpu.memory_space<hbm>> -> memref<1x2000x16xf32, #tpu.memory_space<hbm>>
        %dma_wait3A_37 = tpu.memref_squeeze %dma_wait3A_36 : memref<1x2000x16xf32, #tpu.memory_space<hbm>> -> memref<2000x16xf32, #tpu.memory_space<hbm>>
        tpu.wait_dma2 semaphore(%run_scoped3A_25 : memref<!tpu.dma_semaphore, #tpu.memory_space<semaphore_mem>>) src(%arg8 : memref<2000x16xf32, #tpu.memory_space<vmem>>) dst(%dma_wait3A_37 : memref<2000x16xf32, #tpu.memory_space<hbm>>)
        tpu.yield
      }) : () -> ()
    }
    %scan3A_11 = arith.constant 50 : i32
    return
  }
}

</mosaic_0001>

<sc_bundles>
// kernel: _lookup.3.cloned.1.call-start
scs
__scs_entry_jumppad:
0x0: {  	(pc) =	sbr.rel $0x88, $3  }
0x1: {  	(tag) =	ssettag $0x0;
	lr =	simm.s32 $0x1  }
0x2: {  	[smem:$0x3F9F] =	sst lr;
	_ =	strace $0xD0000000  }
0x3: {  	_ = 	snop  }
0x4: {  	_ = 	snop  }
0x5: {  	_ = 	snop  }
0x6: {  	_ = 	snop  }
0x7: {  	_ = 	snop  }
__scs_overlays_trampoline_lowered:
0x8: {  	[smem:$0x3FAE] =	sst s0  }
0x9: {  	[smem:$0x3FAF] =	sst s1  }
0xa: {  	[smem:$0x3FB0] =	sst s2  }
0xb: {  	[smem:$0x3FB1] =	sst s3  }
0xc: {  	[smem:$0x3FB2] =	sst s4  }
0xd: {  	[smem:$0x3FB3] =	sst s5  }
0xe: {  	[smem:$0x3FB4] =	sst s6  }
0xf: {  	[smem:$0x3FB5] =	sst s7  }
0x10: {  	[smem:$0x3FB6] =	sst s8  }
0x11: {  	[smem:$0x3FB7] =	sst s9;
	s0 =	simm.s32 @!p0 $0x0  }
0x12: {  	s1 =	sld [smem:$0x3F9D];
	s0 =	simm.s32 @p0 $0x1  }
0x13: {  	[smem:$0x3FB8] =	sst s0;
	s0 =	simm.s32 @!p1 $0x0  }
0x14: {  	s2 =	sld [smem:$0x3F9C];
	s0 =	simm.s32 @p1 $0x1  }
0x15: {  	[smem:$0x3FB9] =	sst s0;
	s0 =	simm.s32 @!p2 $0x0  }
0x16: {  	s3 =	sld [smem:$0x3FDB];
	s0 =	simm.s32 @p2 $0x1  }
0x17: {  	s4 =	simm.s32 $0x1BF5;
	[smem:$0x3FBB] =	sst s0  }
0x18: {  	s0 =	sld [smem:$0x3F9E];
	_ =	swait.ge [sflag:s4], $0x0  }
0x19: {  	s7 =	sld [smem:$0x3F9F]  }
0x1a: {  	s8 =	sadd.s32 $0xFFFFE003, lr  }
0x1b: {  	s9 =	sadd.s32 $0xFFFFFEF7, lr;
	s5 =	simm.s32 $0xFFFFFFFF;
	p2 =	slt.u32 s8, $0xFFFFF086  }
0x1c: {  	p1 =	slt.u32 s9, $0xF7A;
	s5 =	simm.s32 @!p2 $0x0  }
0x1d: {  	s5 =	simm.s32 @p1 $0x1;
	p0 =	seq.s32 s7, s2  }
0x1e: {  	s7 =	smul.u32 @!p0 $0xF7A, s2;
	p2 =	seq.s32 @!p0 s5, $0x0  }
0x1f: {  	s9 =	smul.u32 $0xF7A, s1;
	s8 =	simm.s32 @!p0 $0x1BF5;
	p2 =	por !p2, p0  }
0x20: {  	[sflag:s8] =	ssyncset.s32 @!p0 $0xFFFFF086;
	s6 =	sadd.s32 @!p0 s3, s7;
	s7 =	simm.s32 @!p0 $0x108  }
0x21: {  	s3 =	sadd.s32 s3, s9;
	s6 =	sadd.s32 @!p0 $0x88, s6;
	s7 =	simm.s32 @p2 $0x1082  }
0x22: {  	[simem:s7], [sflag:s8] =	dma.local @!p0 [hbm:s6], $0xF7A  }
0x23: {  	s9 =	sor.u32 $0xD0000000, s2;
	s6 =	simm.s32 $0x108;
	_ =	swait.ge @!p0 [sflag:s8], $0x0  }
0x24: {  	s3 =	sadd.s32 $0x88, s3;
	s6 =	simm.s32 @!p1 $0x1082;
	[sflag:s4] =	ssyncset.s32 $0xFFFFF086  }
0x25: {  	[simem:s6], [sflag:s4] =	dma.local [hbm:s3], $0xF7A  }
0x26: {  	[smem:$0x3F9F] =	sst s1;
	(tag) =	ssettag s2;
	_ =	strace s9  }
0x27: {  	s1 =	sld [smem:$0x3FAF]  }
0x28: {  	s2 =	sld [smem:$0x3FB0]  }
0x29: {  	s4 =	sld [smem:$0x3FB2]  }
0x2a: {  	p0 =	seq.s32 s5, $0x0;
	s5 =	sld [smem:$0x3FB3]  }
0x2b: {  	s6 =	sld [smem:$0x3FB4]  }
0x2c: {  	s7 =	sld [smem:$0x3FB5]  }
0x2d: {  	s3 =	simm.s32 $0x108;
	s8 =	sld [smem:$0x3FB6]  }
0x2e: {  	s3 =	simm.s32 @!p0 $0x1082;
	s9 =	sld [smem:$0x3FB7]  }
0x2f: {  	lr =	sadd.s32 s0, s3;
	s0 =	sld [smem:$0x3FAE]  }
0x30: {  	s3 =	sld [smem:$0x3FB1]  }
0x31: {  	[smem:$0x3FBA] =	sst s10  }
0x32: {  	s10 =	sld [smem:$0x3FB8];
	_ =	sdelay $0x3  }
0x33: {  	p0 =	seq.s32 s10, $0x1;
	s10 =	sld [smem:$0x3FBA];
	_ =	sdelay $0x3  }
0x34: {  	[smem:$0x3FBA] =	sst s10  }
0x35: {  	s10 =	sld [smem:$0x3FB9];
	_ =	sdelay $0x3  }
0x36: {  	p1 =	seq.s32 s10, $0x1;
	s10 =	sld [smem:$0x3FBA];
	_ =	sdelay $0x3  }
0x37: {  	[smem:$0x3FBA] =	sst s10  }
0x38: {  	s10 =	sld [smem:$0x3FBB]  }
0x39: {  	_ = 	snop;
	(pc) =	sbr.ind lr, $3  }
0x3a: {  	_ = 	snop  }
0x3b: {  	_ = 	snop  }
0x3c: {  	p2 =	seq.s32 s10, $0x1;
	s10 =	sld [smem:$0x3FBA]  }
0x3d: {  	_ =	shalt  }
0x3e: {  	_ =	shalt  }
0x3f: {  	_ =	shalt  }
0x40: {  	_ =	shalt  }
0x41: {  	_ =	shalt  }
0x42: {  	_ =	shalt  }
0x43: {  	_ =	shalt  }
0x44: {  	_ =	shalt  }
0x45: {  	_ =	shalt  }
0x46: {  	_ =	shalt  }
0x47: {  	_ =	shalt  }
0x48: {  	_ =	shalt  }
0x49: {  	_ =	shalt  }
0x4a: {  	_ =	shalt  }
0x4b: {  	_ =	shalt  }
0x4c: {  	_ =	shalt  }
0x4d: {  	_ =	shalt  }
0x4e: {  	_ =	shalt  }
0x4f: {  	_ =	shalt  }
0x50: {  	_ =	shalt  }
0x51: {  	_ =	shalt  }
0x52: {  	_ =	shalt  }
0x53: {  	_ =	shalt  }
0x54: {  	_ =	shalt  }
0x55: {  	_ =	shalt  }
0x56: {  	_ =	shalt  }
0x57: {  	_ =	shalt  }
0x58: {  	_ =	shalt  }
0x59: {  	_ =	shalt  }
0x5a: {  	_ =	shalt  }
0x5b: {  	_ =	shalt  }
0x5c: {  	_ =	shalt  }
0x5d: {  	_ =	shalt  }
0x5e: {  	_ =	shalt  }
0x5f: {  	_ =	shalt  }
0x60: {  	_ =	shalt  }
0x61: {  	_ =	shalt  }
0x62: {  	_ =	shalt  }
0x63: {  	_ =	shalt  }
0x64: {  	_ =	shalt  }
0x65: {  	_ =	shalt  }
0x66: {  	_ =	shalt  }
0x67: {  	_ =	shalt  }
0x68: {  	_ =	shalt  }
0x69: {  	_ =	shalt  }
0x6a: {  	_ =	shalt  }
0x6b: {  	_ =	shalt  }
0x6c: {  	_ =	shalt  }
0x6d: {  	_ =	shalt  }
0x6e: {  	_ =	shalt  }
0x6f: {  	_ =	shalt  }
0x70: {  	_ =	shalt  }
0x71: {  	_ =	shalt  }
0x72: {  	_ =	shalt  }
0x73: {  	_ =	shalt  }
0x74: {  	_ =	shalt  }
0x75: {  	_ =	shalt  }
0x76: {  	_ =	shalt  }
0x77: {  	_ =	shalt  }
0x78: {  	_ =	shalt  }
0x79: {  	_ =	shalt  }
0x7a: {  	_ =	shalt  }
0x7b: {  	_ =	shalt  }
0x7c: {  	_ =	shalt  }
0x7d: {  	_ =	shalt  }
0x7e: {  	_ =	shalt  }
0x7f: {  	_ =	shalt  }
0x80: {  	_ =	shalt  }
0x81: {  	_ =	shalt  }
0x82: {  	_ =	shalt  }
0x83: {  	_ =	shalt  }
0x84: {  	_ =	shalt  }
0x85: {  	_ =	shalt  }
0x86: {  	_ =	shalt  }
0x87: {  	_ =	shalt  }
.Lfunc_end0:
.L_simem_size_0:
called_computation.1_lowered:
.L_overlay_start_0:
0x88: {  	s2 =	sld [smem:$0x3FD9]  }
0x89: {  	s3 =	sld [smem:$0x3FFE];
	_ =	sdelay $0x1  }
0x8a: {  	s1 =	srdreg.scid  }
0x8b: {  	s0 =	sand.u32 $0x1, s1  }
0x8c: {  	s17 =	sshll.u32 s0, $0xA;
	s2 =	sadd.s32 s3, s2  }
0x8d: {  	s2 =	sadd.s32 s2, s17  }
0x8e: {  	[smem:$0x3FC6] =	sst s2  }
0x8f: {  	_ = 	snop  }
0x90: {  	s2 =	sld [smem:$0x3FC9]  }
0x91: {  	s18 =	sld [smem:$0x3FD0];
	(tm) =	ssettm $0x1  }
0x92: {  	s4 =	sld [smem:$0x3FFB];
	_ =	sdelay $0x3  }
0x93: {  	_ =	strace s4  }
0x94: {  	s4 =	sld [smem:$0x3FFC];
	_ =	sdelay $0x3  }
0x95: {  	_ =	strace s4  }
0x96: {  	s4 =	sld [smem:$0x3FFD];
	_ =	sdelay $0x3  }
0x97: {  	_ =	strace s4  }
0x98: {  	_ =	strace $0x8FFFFFFF  }
0x99: {  	s19 =	sld [smem:$0x3FDB];
	_ =	sdelay $0x1  }
0x9a: {  	s5 =	simm.s32 $_scs_section_size  }
0x9b: {  	s6 =	simm.s32 $_size__tile_overlayer_lowered;
	s7 =	simm.s32 $_tile_overlayer_lowered  }
0x9c: {  	s22 =	simm.s32 $0x1BFF;
	s21 =	sshll.u32 s7, $0x1;
	s4 =	sadd.s32 s5, s19  }
0x9d: {  	s8 =	simm.s32 $0x0;
	s20 =	sshll.u32 s6, $0x1;
	s6 =	sadd.s32 s21, s4  }
0x9e: {  	[timem:s8], [sflag:s22] =	dma.local [hbm:s6], s20  }
0x9f: {  	_ =	swait.ge [sflag:s22], s20  }
0xa0: {  	s5 =	ssub.s32 $0x0, s20;
	[sflag:s22] =	ssyncset.done $0x0  }
0xa1: {  	[sflag:s22] =	ssyncadd.s32 s5;
	_ =	sdelay $0x1  }
0xa2: {  	s23 =	simm.s32 $0x1B8B  }
0xa3: {  	_ =	swait.ge [sflag:s23], $0x1  }
0xa4: {  	[sflag:s23] =	ssyncset.done $0x0  }
0xa5: {  	s25 =	simm.s32 $0x1B8E;
	s24 =	sld [smem:$0x3FFE];
	[sflag:s23] =	ssyncadd.s32 $0xFFFFFFFF  }
0xa6: {  	s26 =	simm.s32 $execute0_lowered;
	[smem:$0x3FD2] =	sst s25  }
0xa7: {  	s6 =	sshll.u32 s26, $0x1;
	_ =	strace $0x80000046;
	[dreg:$0x1] =	wrdreg $0xFFFFFFFF  }
0xa8: {  	s28 =	simm.s32 $_size_execute0_lowered;
	s4 =	sadd.s32 s4, s6;
	[dreg:$0x0] =	wrdreg $0x0  }
0xa9: {  	s6 =	sshll.u32 s28, $0x1;
	[dreg:$0x2] =	wrdreg s4  }
0xaa: {  	[dreg:$0x3] =	wrdreg s6  }
0xab: {  	[dreg:$0x4] =	wrdreg $0xC0  }
0xac: {  	_ =	task [dreg:s8], $0x5FFFF  }
0xad: {  	[dreg:$0x1] =	wrdreg $0xFFFFFFFF  }
0xae: {  	[dreg:$0x0] =	wrdreg $0x60  }
0xaf: {  	[dreg:$0x2] =	wrdreg s2  }
0xb0: {  	[dreg:$0x3] =	wrdreg s24  }
0xb1: {  	[dreg:$0x4] =	wrdreg s18  }
0xb2: {  	[dreg:$0x5] =	wrdreg $0x600  }
0xb3: {  	[dreg:$0x6] =	wrdreg $0x9  }
0xb4: {  	_ =	task.clear_ibuf [dreg:s8], $0x7FFFF;
	_ =	strace $0x90000046  }
0xb5: {  	s29 =	simm.s32 $0x9;
	_ =	strace $0x80000048  }
0xb6: {  	_ =	swait.ge [sflag:s29], $0x1  }
0xb7: {  	[sflag:s29] =	ssyncadd.s32 $0xFFFFFFFF  }
0xb8: {  	_ =	strace $0x90000048  }
0xb9: {  	_ =	sfence  }
0xba: {  	s30 =	sld [smem:$0x0];
	_ =	sdelay $0x2  }
0xbb: {  	s31 =	sshll.u32 s1, $0xD;
	s1 =	sshrl.u32 s1, $0x2  }
0xbc: {  	s3 =	sand.u32 $0x4000, s31;
	s1 =	sadd.s32 s1, s30  }
0xbd: {  	s0 =	sor.u32 s3, s0;
	s1 =	sshll.u32 s1, $0x11  }
0xbe: {  	s0 =	sor.u32 s1, s0  }
0xbf: {  	s0 =	sadd.s32 $0x8F2B, s0  }
0xc0: {  	[sflag:s0] =	ssyncadd.remote.s32 $0x1  }
0xc1: {  	_ =	sfence.sel $0xFFFF  }
0xc2: {  	[dreg:$0x0] =	wrdreg $0xFFFFFFFF;
	(pc) =	sbr.abs _section_cstart, $3  }
0xc3: {  	[dreg:$0x1] =	wrdreg $0xFFFFFFFF  }
0xc4: {  	_ =	task.clear_ibuf [dreg:s8], $0x2FFFF;
	_ =	strace $0x9FFFFFFF  }
0xc5: {  	(tm) =	ssettm $0x7FFFFFFF  }
tec
execute0_lowered:
.L_overlay_start_1:
0x0: {  	(tag) =	ssettag $0x1  }
0x1: {  	s0 =	rddreg [dreg:$0x0]  }
0x2: {  	s3 =	rddreg [dreg:$0x1]  }
0x3: {  	s17 =	rddreg [dreg:$0x2]  }
0x4: {  	s1 =	rddreg [dreg:$0x3];
	s2 =	simm.s32 $0x0;
	s4 =	srdreg.scid  }
0x5: {  	s23 =	stileid.u32;
	s28 =	simm.s32 $0x1;
	s29 =	simm.s32 $0x0  }
0x6: {  	[smem:$0x7FF] =	sst s2;
	s19 =	sand.u32 $0x1, s4;
	s3 =	sadd.s32 $0x800, s3  }
0x7: {  	s25 =	sadd.s32 $0x60, s1;
	s6 =	sadd.s32 $0x120, s1;
	s7 =	sadd.s32 $0x180, s1  }
0x8: {  	s8 =	sadd.s32 $0x1E0, s1;
	s9 =	sadd.s32 $0x240, s1;
	s10 =	sadd.s32 $0x2A0, s1  }
0x9: {  	s18 =	smul.u32 $0x61A80, s23;
	s11 =	sadd.s32 $0x300, s1;
	s12 =	sadd.s32 $0x360, s1  }
0xa: {  	s21 =	smul.u32 $0x30D40, s23;
	s13 =	sadd.s32 $0x3C0, s1;
	s14 =	sadd.s32 $0x420, s1  }
0xb: {  	s15 =	sadd.s32 $0x480, s1;
	s16 =	sadd.s32 $0x4E0, s1;
	s24 =	smul.u32 $0x180, s23  }
0xc: {  	p0 =	sne.s32 s23, $0x0;
	s23 =	simm.s32 $0x2;
	_ =	strace $0x80000047  }
0xd: {  	s4 =	ssub.s32 $0x2, s19;
	[dreg:$0x5] =	wrdreg s3;
	s22 =	smul.u32 $0x186A0, s19  }
0xe: {  	[dreg:$0x6] =	wrdreg s25;
	s30 =	smul.u32 $0x30D40, s19;
	s5 =	sshrl.u32 s4, $0x1  }
0xf: {  	s25 =	sadd.s32 s18, s17;
	s17 =	sadd.s32 $0x540, s1;
	s18 =	sadd.s32 $0x5A0, s1  }
0x10: {  	s26 =	sshrl.u32 s24, $0x2;
	s24 =	simm.s32 $0xC0;
	s20 =	ssub.s32 s4, s5  }
0x11: {  	s5 =	sadd.s32 $0xC0, s1;
	s21 =	sadd.s32 s22, s21;
	s19 =	sadd.s32 s26, s1  }
0x12: {  	s26 =	simm.s32 $0x890;
	s20 =	smax.u32 s20, $0x1;
	s31 =	sshrl.u32 s21, $0x3  }
0x13: {  	s21 =	sadd.s32 s30, s25;
	s25 =	simm.s32 $0x7D0;
	s22 =	sadd.s32 s31, s0  }
.LBB2_1:
.Ltmp0:
0x14: {  	(pc) =	sbr.rel @p0 .LBB2_3-.Ltmp0, $1  }
0x15: {  	_ =	sdelay $0x3  }
0x16: {  	s0 =	rddreg [dreg:$0x5]  }
0x17: {  	[tilespmem:s2], [sflag:$0x2] =	stream.linear.gather [hbm4b:s0+s2], $0x60, $0x38;
	[tilespmem:$0x8590] =	vst v63  }
0x18: {  	_ =	swait.ge [sflag:s23], $0x60  }
0x19: {  	[sflag:s23] =	ssyncset.done $0x0  }
0x1a: {  	[sflag:s23] =	ssyncadd.s32 $0xFFFFFFA0  }
0x1b: {  	[spmem:s1] =	stream.linear.scatter [tilespmem:s2], [sflag:$0x2], $0x60, $0x38;
	[tilespmem:$0x8590] =	vst v63  }
0x1c: {  	_ =	swait.ge [sflag:s23], $0x60  }
0x1d: {  	[sflag:s23] =	ssyncset.done $0x0  }
0x1e: {  	s31 =	rddreg [dreg:$0x6];
	[sflag:s23] =	ssyncadd.s32 $0xFFFFFFA0  }
0x1f: {  	[spmem:s31] =	stream.linear.scatter [tilespmem:s2], [sflag:$0x2], $0x60, $0x38;
	[tilespmem:$0x8590] =	vst v63  }
0x20: {  	_ =	swait.ge [sflag:s23], $0x60  }
0x21: {  	[sflag:s23] =	ssyncset.done $0x0  }
0x22: {  	[sflag:s23] =	ssyncadd.s32 $0xFFFFFFA0  }
0x23: {  	[spmem:s5] =	stream.linear.scatter [tilespmem:s2], [sflag:$0x2], $0x60, $0x38;
	[tilespmem:$0x8590] =	vst v63  }
0x24: {  	_ =	swait.ge [sflag:s23], $0x60  }
0x25: {  	[sflag:s23] =	ssyncset.done $0x0  }
0x26: {  	[sflag:s23] =	ssyncadd.s32 $0xFFFFFFA0  }
0x27: {  	[spmem:s6] =	stream.linear.scatter [tilespmem:s2], [sflag:$0x2], $0x60, $0x38;
	[tilespmem:$0x8590] =	vst v63  }
0x28: {  	_ =	swait.ge [sflag:s23], $0x60  }
0x29: {  	[sflag:s23] =	ssyncset.done $0x0  }
0x2a: {  	[sflag:s23] =	ssyncadd.s32 $0xFFFFFFA0  }
0x2b: {  	[spmem:s7] =	stream.linear.scatter [tilespmem:s2], [sflag:$0x2], $0x60, $0x38;
	[tilespmem:$0x8590] =	vst v63  }
0x2c: {  	_ =	swait.ge [sflag:s23], $0x60  }
0x2d: {  	[sflag:s23] =	ssyncset.done $0x0  }
0x2e: {  	[sflag:s23] =	ssyncadd.s32 $0xFFFFFFA0  }
0x2f: {  	[spmem:s8] =	stream.linear.scatter [tilespmem:s2], [sflag:$0x2], $0x60, $0x38;
	[tilespmem:$0x8590] =	vst v63  }
0x30: {  	_ =	swait.ge [sflag:s23], $0x60  }
0x31: {  	[sflag:s23] =	ssyncset.done $0x0  }
0x32: {  	[sflag:s23] =	ssyncadd.s32 $0xFFFFFFA0  }
0x33: {  	[spmem:s9] =	stream.linear.scatter [tilespmem:s2], [sflag:$0x2], $0x60, $0x38;
	[tilespmem:$0x8590] =	vst v63  }
0x34: {  	_ =	swait.ge [sflag:s23], $0x60  }
0x35: {  	[sflag:s23] =	ssyncset.done $0x0  }
0x36: {  	[sflag:s23] =	ssyncadd.s32 $0xFFFFFFA0  }
0x37: {  	[spmem:s10] =	stream.linear.scatter [tilespmem:s2], [sflag:$0x2], $0x60, $0x38;
	[tilespmem:$0x8590] =	vst v63  }
0x38: {  	_ =	swait.ge [sflag:s23], $0x60  }
0x39: {  	[sflag:s23] =	ssyncset.done $0x0  }
0x3a: {  	[sflag:s23] =	ssyncadd.s32 $0xFFFFFFA0  }
0x3b: {  	[spmem:s11] =	stream.linear.scatter [tilespmem:s2], [sflag:$0x2], $0x60, $0x38;
	[tilespmem:$0x8590] =	vst v63  }
0x3c: {  	_ =	swait.ge [sflag:s23], $0x60  }
0x3d: {  	[sflag:s23] =	ssyncset.done $0x0  }
0x3e: {  	[sflag:s23] =	ssyncadd.s32 $0xFFFFFFA0  }
0x3f: {  	[spmem:s12] =	stream.linear.scatter [tilespmem:s2], [sflag:$0x2], $0x60, $0x38;
	[tilespmem:$0x8590] =	vst v63  }
0x40: {  	_ =	swait.ge [sflag:s23], $0x60  }
0x41: {  	[sflag:s23] =	ssyncset.done $0x0  }
0x42: {  	[sflag:s23] =	ssyncadd.s32 $0xFFFFFFA0  }
0x43: {  	[spmem:s13] =	stream.linear.scatter [tilespmem:s2], [sflag:$0x2], $0x60, $0x38;
	[tilespmem:$0x8590] =	vst v63  }
0x44: {  	_ =	swait.ge [sflag:s23], $0x60  }
0x45: {  	[sflag:s23] =	ssyncset.done $0x0  }
0x46: {  	[sflag:s23] =	ssyncadd.s32 $0xFFFFFFA0  }
0x47: {  	[spmem:s14] =	stream.linear.scatter [tilespmem:s2], [sflag:$0x2], $0x60, $0x38;
	[tilespmem:$0x8590] =	vst v63  }
0x48: {  	_ =	swait.ge [sflag:s23], $0x60  }
0x49: {  	[sflag:s23] =	ssyncset.done $0x0  }
0x4a: {  	[sflag:s23] =	ssyncadd.s32 $0xFFFFFFA0  }
0x4b: {  	[spmem:s15] =	stream.linear.scatter [tilespmem:s2], [sflag:$0x2], $0x60, $0x38;
	[tilespmem:$0x8590] =	vst v63  }
0x4c: {  	_ =	swait.ge [sflag:s23], $0x60  }
0x4d: {  	[sflag:s23] =	ssyncset.done $0x0  }
0x4e: {  	[sflag:s23] =	ssyncadd.s32 $0xFFFFFFA0  }
0x4f: {  	[spmem:s16] =	stream.linear.scatter [tilespmem:s2], [sflag:$0x2], $0x60, $0x38;
	[tilespmem:$0x8590] =	vst v63  }
0x50: {  	_ =	swait.ge [sflag:s23], $0x60  }
0x51: {  	[sflag:s23] =	ssyncset.done $0x0  }
0x52: {  	[sflag:s23] =	ssyncadd.s32 $0xFFFFFFA0  }
0x53: {  	[spmem:s17] =	stream.linear.scatter [tilespmem:s2], [sflag:$0x2], $0x60, $0x38;
	[tilespmem:$0x8590] =	vst v63  }
0x54: {  	_ =	swait.ge [sflag:s23], $0x60  }
0x55: {  	[sflag:s23] =	ssyncset.done $0x0  }
0x56: {  	[sflag:s23] =	ssyncadd.s32 $0xFFFFFFA0  }
0x57: {  	[spmem:s18] =	stream.linear.scatter [tilespmem:s2], [sflag:$0x2], $0x60, $0x38;
	[tilespmem:$0x8590] =	vst v63  }
0x58: {  	_ =	swait.ge [sflag:s23], $0x60  }
0x59: {  	[sflag:s23] =	ssyncset.done $0x0  }
0x5a: {  	[sflag:s23] =	ssyncadd.s32 $0xFFFFFFA0  }
.LBB2_3:
0x5b: {  	[bflag:$0x0] =	sbarrier.arrive $0xFFFF;
	s0 =	sadd.s32 $0x0, s22  }
0x5c: {  	[tilespmem:s24], [sflag:$0x2] =	stream.linear.gather [hbm4b:s0+s2], $0x7D0, $0x38;
	[tilespmem:$0x8590] =	vst v63  }
0x5d: {  	_ =	swait.ge [sflag:s23], $0x7D0  }
0x5e: {  	[sflag:s23] =	ssyncset.done $0x0  }
0x5f: {  	[sflag:s23] =	ssyncadd.s32 $0xFFFFF830  }
0x60: {  	[tilespmem:s26], [sflag:$0x1] =	stream.indirect.gather [spmem:s19], $0x10, s24, s25, $0xb8;
	[tilespmem:$0x8590] =	vst v63  }
0x61: {  	_ =	swait.ge [sflag:s28], $0x7D00  }
0x62: {  	[sflag:s28] =	ssyncset.done $0x0  }
0x63: {  	[sflag:s28] =	ssyncadd.s32 $0xFFFF8300  }
0x64: {  	[hbm4b:s21+s2] =	stream.linear.scatter [tilespmem:s26], [sflag:$0x2], $0x7D00, $0x38;
	[tilespmem:$0x8590] =	vst v63  }
0x65: {  	s31 =	simm.s32 $0xFA;
	_ =	swait.ge [sflag:s23], $0x7D00  }
0x66: {  	s30 =	sadd.s32 $0xFA0, s21;
	s0 =	simm.s32 $0x1F4;
	[sflag:s23] =	ssyncset.done $0x0  }
.LBB2_4:
0x67: {  	s3 =	sadd.s32 s31, s22  }
0x68: {  	[sflag:s23] =	ssyncadd.s32 $0xFFFF8300;
	s31 =	smov.u32 s0;
	s4 =	sadd.s32 $0xFA, s0  }
0x69: {  	[tilespmem:s24], [sflag:$0x2] =	stream.linear.gather [hbm4b:s3+s2], $0x7D0, $0x38;
	[tilespmem:$0x8590] =	vst v63  }
0x6a: {  	p1 =	sne.s32 s0, $0x2FDA;
	_ =	swait.ge [sflag:s23], $0x7D0  }
0x6b: {  	[sflag:s23] =	ssyncset.done $0x0  }
0x6c: {  	[sflag:s23] =	ssyncadd.s32 $0xFFFFF830  }
0x6d: {  	[tilespmem:s26], [sflag:$0x1] =	stream.indirect.gather [spmem:s19], $0x10, s24, s25, $0xb8;
	[tilespmem:$0x8590] =	vst v63  }
0x6e: {  	_ =	swait.ge [sflag:s28], $0x7D00  }
.Ltmp1:
0x6f: {  	[sflag:s28] =	ssyncset.done $0x0;
	(pc) =	sbr.rel @p1 .LBB2_4-.Ltmp1, $4  }
0x70: {  	[sflag:s28] =	ssyncadd.s32 $0xFFFF8300  }
0x71: {  	[hbm4b:s30+s2] =	stream.linear.scatter [tilespmem:s26], [sflag:$0x2], $0x7D00, $0x38;
	[tilespmem:$0x8590] =	vst v63  }
0x72: {  	_ =	swait.ge [sflag:s23], $0x7D00  }
0x73: {  	s0 =	smov.u32 s4;
	s30 =	sadd.s32 $0xFA0, s30;
	[sflag:s23] =	ssyncset.done $0x0  }
0x74: {  	s0 =	sadd.s32 s31, s22;
	[sflag:s23] =	ssyncadd.s32 $0xFFFF8300  }
0x75: {  	[tilespmem:s24], [sflag:$0x2] =	stream.linear.gather [hbm4b:s0+s2], $0x7D0, $0x38;
	[tilespmem:$0x8590] =	vst v63  }
0x76: {  	_ =	swait.ge [sflag:s23], $0x7D0  }
0x77: {  	[sflag:s23] =	ssyncset.done $0x0  }
0x78: {  	[sflag:s23] =	ssyncadd.s32 $0xFFFFF830  }
0x79: {  	[tilespmem:s26], [sflag:$0x1] =	stream.indirect.gather [spmem:s19], $0x10, s24, s25, $0xb8;
	[tilespmem:$0x8590] =	vst v63  }
0x7a: {  	s29 =	sadd.s32 $0x1, s29;
	_ =	swait.ge [sflag:s28], $0x7D00  }
0x7b: {  	p1 =	sne.s32 s29, s20;
	[sflag:s28] =	ssyncset.done $0x0  }
.Ltmp2:
0x7c: {  	[sflag:s28] =	ssyncadd.s32 $0xFFFF8300;
	(pc) =	sbr.rel @p1 .LBB2_1-.Ltmp2, $4  }
0x7d: {  	[hbm4b:s30+s2] =	stream.linear.scatter [tilespmem:s26], [sflag:$0x2], $0x7D00, $0x38;
	[tilespmem:$0x8590] =	vst v63  }
0x7e: {  	_ =	swait.ge [sflag:s23], $0x7D00  }
0x7f: {  	[sflag:s23] =	ssyncset.done $0x0  }
0x80: {  	[sflag:s23] =	ssyncadd.s32 $0xFFFF8300  }
0x81: {  	_ =	sfence.sel $0x180000  }
0x82: {  	[bflag:$0x0] =	sbarrier.arrive $0xFFFF  }
0x83: {  	_ =	strace $0x90000047  }
0x84: {  	[bflag:$0x2] =	sbarrier.arrive $0xFFFF  }
0x85: {  	s0 =	rddreg [dreg:$0x4]  }
0x86: {  	s0 =	sadd.s32 @!p0 $0x100000, s0  }
0x87: {  	[sflag:s0] =	ssyncadd.tile.s32 @!p0 $0x1;
	_ =	shalt  }
.Lfunc_end2:
_tile_overlayer_lowered:
.L_overlay_start_2:
0x88: {  	(tag) =	ssettag $0x2  }
0x89: {  	s0 =	rddreg [dreg:$0x0];
	s2 =	stileid.u32  }
0x8a: {  	s1 =	rddreg [dreg:$0x1];
	p0 =	sne.s32 s2, $0x0  }
0x8b: {  	s3 =	rddreg [dreg:$0x2];
	[bflag:$0x3] =	sbarrier.arrive $0xFFFF;
	s2 =	simm.s32 @!p0 $0x1C02  }
0x8c: {  	[timem:s3], [sflag:s2] =	dma.local @!p0 [hbm:s0], s1  }
0x8d: {  	s0 =	simm.s32 @!p0 $0x2  }
0x8e: {  	_ =	swait.ge @!p0 [sflag:s0], s1  }
0x8f: {  	s1 =	ssub.s32 @!p0 $0x0, s1;
	[sflag:s0] =	ssyncset.done @!p0 $0x0  }
0x90: {  	[sflag:s0] =	ssyncadd.s32 @!p0 s1  }
0x91: {  	[bflag:$0x3] =	sbarrier.arrive $0xFFFF  }
0x92: {  	_ =	shalt  }

// kernel: sparse-core-data-format-call.cloned.1.call-start
scs
called_computation_lowered:
.L_overlay_start_0:
0x0: {  	s2 =	sld [smem:$0x3FD9]  }
0x1: {  	s3 =	sld [smem:$0x3FFE];
	_ =	sdelay $0x1  }
0x2: {  	s1 =	srdreg.scid  }
0x3: {  	s0 =	sand.u32 $0x1, s1  }
0x4: {  	s18 =	sshll.u32 s0, $0xA;
	s2 =	sadd.s32 s3, s2  }
0x5: {  	s2 =	sadd.s32 s2, s18  }
0x6: {  	[smem:$0x3FC6] =	sst s2  }
0x7: {  	_ = 	snop  }
0x8: {  	s2 =	sld [smem:$0x3FD0];
	(tm) =	ssettm $0x1  }
0x9: {  	s19 =	sld [smem:$0x3FFB];
	_ =	sdelay $0x3  }
0xa: {  	_ =	strace s19  }
0xb: {  	s3 =	sld [smem:$0x3FFC];
	_ =	sdelay $0x3  }
0xc: {  	_ =	strace s3  }
0xd: {  	s3 =	sld [smem:$0x3FFD];
	_ =	sdelay $0x3  }
0xe: {  	_ =	strace s3  }
0xf: {  	_ =	strace $0x8FFFFFFF  }
0x10: {  	s20 =	sld [smem:$0x3FDB];
	_ =	sdelay $0x1  }
0x11: {  	s4 =	simm.s32 $_scs_section_size  }
0x12: {  	s5 =	simm.s32 $_size__tile_overlayer_lowered;
	s6 =	simm.s32 $_tile_overlayer_lowered  }
0x13: {  	s23 =	simm.s32 $0x1BFF;
	s22 =	sshll.u32 s6, $0x1;
	s3 =	sadd.s32 s4, s20  }
0x14: {  	s7 =	simm.s32 $0x0;
	s21 =	sshll.u32 s5, $0x1;
	s5 =	sadd.s32 s22, s3  }
0x15: {  	[timem:s7], [sflag:s23] =	dma.local [hbm:s5], s21  }
0x16: {  	_ =	swait.ge [sflag:s23], s21  }
0x17: {  	s4 =	ssub.s32 $0x0, s21;
	[sflag:s23] =	ssyncset.done $0x0  }
0x18: {  	[sflag:s23] =	ssyncadd.s32 s4;
	_ =	sdelay $0x1  }
0x19: {  	s24 =	simm.s32 $0x1B8B  }
0x1a: {  	_ =	swait.ge [sflag:s24], $0x1  }
0x1b: {  	[sflag:s24] =	ssyncset.done $0x0  }
0x1c: {  	s26 =	simm.s32 $0x1B8E;
	s25 =	sld [smem:$0x3FFE];
	[sflag:s24] =	ssyncadd.s32 $0xFFFFFFFF  }
0x1d: {  	s27 =	simm.s32 $execute0_lowered;
	[smem:$0x3FD2] =	sst s26  }
0x1e: {  	s5 =	sshll.u32 s27, $0x1;
	_ =	strace $0x80000049;
	[dreg:$0x1] =	wrdreg $0xFFFFFFFF  }
0x1f: {  	s28 =	simm.s32 $_size_execute0_lowered;
	s3 =	sadd.s32 s3, s5;
	[dreg:$0x0] =	wrdreg $0x0  }
0x20: {  	s5 =	sshll.u32 s28, $0x1;
	[dreg:$0x2] =	wrdreg s3  }
0x21: {  	[dreg:$0x3] =	wrdreg s5  }
0x22: {  	[dreg:$0x4] =	wrdreg $0xC0  }
0x23: {  	_ =	task [dreg:s7], $0x5FFFF  }
0x24: {  	[dreg:$0x1] =	wrdreg $0xFFFFFFFF  }
0x25: {  	[dreg:$0x0] =	wrdreg $0x60  }
0x26: {  	[dreg:$0x2] =	wrdreg s25  }
0x27: {  	[dreg:$0x3] =	wrdreg s2  }
0x28: {  	[dreg:$0x4] =	wrdreg $0x9  }
0x29: {  	_ =	task.clear_ibuf [dreg:s7], $0x5FFFF;
	_ =	strace $0x90000049  }
0x2a: {  	s29 =	simm.s32 $0x9;
	_ =	strace $0x8000004B  }
0x2b: {  	_ =	swait.ge [sflag:s29], $0x1  }
0x2c: {  	[sflag:s29] =	ssyncadd.s32 $0xFFFFFFFF  }
0x2d: {  	_ =	strace $0x9000004B  }
0x2e: {  	_ =	sfence  }
0x2f: {  	s30 =	sld [smem:$0x0];
	_ =	sdelay $0x2  }
0x30: {  	s31 =	sshll.u32 s1, $0xD;
	s1 =	sshrl.u32 s1, $0x2  }
0x31: {  	s3 =	sand.u32 $0x4000, s31;
	s1 =	sadd.s32 s1, s30  }
0x32: {  	s0 =	sor.u32 s3, s0;
	s1 =	sshll.u32 s1, $0x11  }
0x33: {  	s0 =	sor.u32 s1, s0  }
0x34: {  	s0 =	sadd.s32 $0x8F2B, s0  }
0x35: {  	[sflag:s0] =	ssyncadd.remote.s32 $0x1  }
0x36: {  	_ =	sfence.sel $0xFFFF  }
0x37: {  	[dreg:$0x0] =	wrdreg $0xFFFFFFFF;
	(pc) =	sbr.abs _section_cstart, $3  }
0x38: {  	[dreg:$0x1] =	wrdreg $0xFFFFFFFF  }
0x39: {  	_ =	task.clear_ibuf [dreg:s7], $0x2FFFF;
	_ =	strace $0x9FFFFFFF  }
0x3a: {  	(tm) =	ssettm $0x7FFFFFFF  }
0x3b: {  	_ =	shalt  }
tec
execute0_lowered:
.L_overlay_start_1:
0x0: {  	(tag) =	ssettag $0x1  }
0x1: {  	s0 =	srdreg.scid  }
0x2: {  	s1 =	sshll.u32 s0, $0x4  }
0x3: {  	s4 =	rddreg [dreg:$0x0];
	s0 =	stileid.u32;
	s1 =	sand.u32 $0x10, s1  }
0x4: {  	s2 =	rddreg [dreg:$0x1];
	s7 =	simm.s32 $0x1;
	s1 =	sor.u32 s0, s1  }
0x5: {  	s8 =	simm.s32 $0x2;
	s11 =	simm.s32 $0x0;
	s3 =	sshll.u32 s1, $0x7  }
0x6: {  	s10 =	simm.s32 $0x0;
	s4 =	sadd.s32 $0x800, s4;
	s6 =	ssub.s32 $0x30D400, s3  }
.Ltmp0:
0x7: {  	s1 =	rddreg [dreg:$0x2];
	s5 =	sand.u32 $0xF80, s6;
	(pc) =	sbr.rel .LBB1_1-.Ltmp0, $4  }
0x8: {  	_ =	strace $0x8000004A;
	s9 =	smov.u32 s3;
	p0 =	sne.s32 s5, $0x0  }
0x9: {  	s6 =	sshrl.u32 s6, $0xC;
	s5 =	simm.s32 $0x1;
	s7 =	simm.s32 @!p0 $0x0  }
0xa: {  	[sflag:s5] =	ssyncpa.u1 $0x0;
	p0 =	por $0x0, $0x0;
	s6 =	sadd.s32 s7, s6  }
0xb: {  	[sflag:s8] =	ssyncpa.u1 $0x0;
	s8 =	simm.s32 $0x186A000;
	s7 =	sadd.s32 $0x1, s6  }
.LBB1_4:
0xc: {  	s14 =	sshll.u32 s11, $0x3  }
0xd: {  	s15 =	sshrl.u32 s14, $0xA  }
0xe: {  	s15 =	smulhi.u32 $0x53E2D7, s15;
	_ =	sdelay $0x1  }
0xf: {  	s15 =	sshrl.u32 s15, $0x2  }
0x10: {  	s28 =	sand.u32 $0x7F, s11;
	s14 =	sand.u32 $0xFFFFFC00, s14;
	s16 =	smul.u32 $0x30D400, s15  }
0x11: {  	[tilespmem:s12+$0xFFFFFFFC ss:$0x81] =	vst.msk $0xffff, v1;
	s11 =	sor.u32 s28, s14;
	s29 =	sand.u32 $0xF, s15  }
0x12: {  	[tilespmem:s12+$0xFFFFFFFD ss:$0x81] =	vst.msk $0xffff, v2;
	s14 =	smul.u32 $0x61A80, s29;
	s11 =	ssub.s32 s11, s16  }
0x13: {  	[tilespmem:s12+$0xFFFFFFFE ss:$0x81] =	vst.msk $0xffff, v0;
	s30 =	sand.u32 $0x7, s11  }
0x14: {  	[tilespmem:s12+$0xFFFFFFFF ss:$0x81] =	vst.msk $0xffff, v4;
	s11 =	sshrl.u32 s11, $0x3;
	s14 =	sadd.s32 s2, s14;
	s15 =	sshll.u32 s30, $0x12  }
0x15: {  	[tilespmem:s12+$0xFFFFFFF9 ss:$0x81] =	vst.msk $0xffff, v3;
	s11 =	sadd.s32 s11, s14;
	s31 =	sor.u32 $0x400, s15  }
0x16: {  	[hbm4b:s11+s31] =	stream.strided.scatter [tilespmem:s13], [sflag:$0x2], $0x800, s8, s31, $0x20;
	[tilespmem:$0x2020] =	vst v63  }
.LBB1_5:
0x17: {  	s13 =	sadd.s32 $0x1000, s9  }
0x18: {  	p2 =	sgt.s32 s13, $0x30D3FF  }
0x19: {  	s13 =	smov.u32 @p2 s3;
	p2 =	sne.s32 s10, s7  }
.Ltmp1:
0x1a: {  	p1 =	slt.u32 s10, $0x2;
	(pc) =	sbr.rel @!p2 .LBB1_6-.Ltmp1, $4  }
0x1b: {  	s12 =	simm.s32 @!p1 $0x2  }
0x1c: {  	s14 =	sadd.s32 $0x1, s10;
	_ =	swait.ge @!p1 [sflag:s12], $0x800  }
0x1d: {  	s11 =	smov.u32 s9;
	p0 =	por !p0, !p0;
	[sflag:s12] =	ssyncset.done @!p1 $0x0  }
0x1e: {  	s10 =	smov.u32 s14;
	s9 =	smov.u32 s13;
	[sflag:s12] =	ssyncadd.s32 @!p1 $0xFFFFF800  }
.LBB1_1:
0x1f: {  	p1 =	sge.u32 s10, s6  }
0x20: {  	s12 =	sand.u32 @!p1 $0x1FFFFFF, s9  }
0x21: {  	s13 =	smulhi.u32 @!p1 $0x14F8B59, s12;
	_ =	sdelay $0x1  }
0x22: {  	s13 =	sshrl.u32 @!p1 s13, $0xE  }
0x23: {  	s13 =	smul.u32 @!p1 $0x30D400, s13;
	_ =	sdelay $0x1  }
0x24: {  	s31 =	sadd.s32 $0xFFFFFFFF, s10;
	s14 =	sxor.u32 @!p1 $0xFFFFFFFF, s10;
	s12 =	ssub.s32 @!p1 s12, s13  }
0x25: {  	s15 =	simm.s32 @!p1 $0x80;
	s14 =	sshll.u32 @!p1 s14, $0xB;
	s12 =	sshll.u32 @!p1 s12, $0x4  }
0x26: {  	s13 =	sand.u32 @!p1 $0x800, s14;
	s14 =	simm.s32 @!p1 $0x10;
	s12 =	sadd.s32 @!p1 s4, s12  }
0x27: {  	[tilespmem:s13], [sflag:$0x1] =	stream.strided.gather @!p1 [hbm4b:s12+s14], $0x800, s15, s14, $0x38;
	[tilespmem:$0x2020] =	vst v63  }
0x28: {  	p1 =	sge.u32 s31, s6  }
.Ltmp2:
0x29: {  	_ = 	snop;
	(pc) =	sbr.rel @p1 .LBB1_5-.Ltmp2, $1  }
0x2a: {  	_ =	sdelay $0x3  }
0x2b: {  	s12 =	simm.s32 $0x1  }
0x2c: {  	_ =	swait.ge [sflag:s5], $0x800;
	s12 =	simm.s32 @!p0 $0x0  }
0x2d: {  	[sflag:s5] =	ssyncset.done $0x0;
	s13 =	sshll.u32 s12, $0xB  }
0x2e: {  	[sflag:s5] =	ssyncadd.s32 $0xFFFFF800;
	s15 =	sor.u32 $0x40, s13  }
0x2f: {  	v3 =	vld [tilespmem:s15+$0x30]  }
0x30: {  	s12 =	smul.u32 $0x2040, s12;
	v4 =	vld [tilespmem:s15+$0xFFFFFFD0]  }
0x31: {  	v5 =	vld [tilespmem:s15+$0xFFFFFFE0]  }
0x32: {  	s31 =	sand.u32 $0x1, s10;
	s12 =	sshrl.u32 s12, $0x2;
	v1 =	vld [tilespmem:s15+$0xFFFFFFF0]  }
0x33: {  	s13 =	smul.u32 $0x2040, s31;
	v2 =	vld [tilespmem:s15+$0x0];
	s12 =	sor.u32 $0x1007, s12  }
0x34: {  	v0 =	vld [tilespmem:s15+$0x10];
	[tilespmem:s12+$0x0 ss:$0x81] =	vst.msk $0xffff, v3  }
0x35: {  	s13 =	sshrl.u32 s13, $0x2;
	[tilespmem:s12+$0xFFFFFFFA ss:$0x81] =	vst.msk $0xffff, v4;
	v4 =	vld [tilespmem:s15+$0x20]  }
0x36: {  	s14 =	simm.s32 $0x0;
	s13 =	sor.u32 $0x1000, s13;
	v3 =	vld [tilespmem:s15+$0xFFFFFFC0];
	[tilespmem:s12+$0xFFFFFFFB ss:$0x81] =	vst.msk $0xffff, v5;
	s15 =	sadd.s32 $0x80, s15  }
.LBB1_3:
0x37: {  	v5 =	vld [tilespmem:s15+$0x30];
	s14 =	sadd.s32 $0x8, s14;
	[tilespmem:s12+$0xFFFFFFFC ss:$0x81] =	vst.msk $0xffff, v1  }
0x38: {  	v6 =	vld [tilespmem:s15+$0xFFFFFFD0];
	p1 =	slt.u32 s14, $0x78;
	[tilespmem:s12+$0xFFFFFFFD ss:$0x81] =	vst.msk $0xffff, v2  }
0x39: {  	v7 =	vld [tilespmem:s15+$0xFFFFFFE0];
	[tilespmem:s12+$0xFFFFFFFE ss:$0x81] =	vst.msk $0xffff, v0  }
.Ltmp3:
0x3a: {  	v1 =	vld [tilespmem:s15+$0xFFFFFFF0];
	[tilespmem:s12+$0xFFFFFFFF ss:$0x81] =	vst.msk $0xffff, v4;
	(pc) =	sbr.rel @p1 .LBB1_3-.Ltmp3, $4  }
0x3b: {  	v2 =	vld [tilespmem:s15+$0x0];
	[tilespmem:s12+$0xFFFFFFF9 ss:$0x81] =	vst.msk $0xffff, v3;
	s12 =	sadd.s32 $0x8, s12  }
0x3c: {  	v0 =	vld [tilespmem:s15+$0x10];
	[tilespmem:s12+$0x0 ss:$0x81] =	vst.msk $0xffff, v5  }
0x3d: {  	[tilespmem:s12+$0xFFFFFFFA ss:$0x81] =	vst.msk $0xffff, v6;
	v4 =	vld [tilespmem:s15+$0x20]  }
0x3e: {  	v3 =	vld [tilespmem:s15+$0xFFFFFFC0];
	[tilespmem:s12+$0xFFFFFFFB ss:$0x81] =	vst.msk $0xffff, v7;
	s15 =	sadd.s32 $0x80, s15  }
.Ltmp4:
0x3f: {  	_ = 	snop;
	(pc) =	sbr.rel .LBB1_4-.Ltmp4, $1  }
0x40: {  	_ =	sdelay $0x3  }
.LBB1_6:
0x41: {  	_ =	sfence.sel $0x180000  }
0x42: {  	s2 =	simm.s32 $0x1;
	[bflag:$0x0] =	sbarrier.arrive $0xFFFF  }
0x43: {  	s31 =	simm.s32 $0x2;
	[sflag:s2] =	ssyncpa.u1 $0x1  }
0x44: {  	[sflag:s31] =	ssyncpa.u1 $0x1  }
0x45: {  	p0 =	sne.s32 s0, $0x0;
	_ =	strace $0x9000004A  }
0x46: {  	s0 =	sadd.s32 @!p0 $0x100000, s1;
	[bflag:$0x2] =	sbarrier.arrive $0xFFFF  }
0x47: {  	[sflag:s0] =	ssyncadd.tile.s32 @!p0 $0x1;
	_ =	shalt  }
.Lfunc_end1:
_tile_overlayer_lowered:
.L_overlay_start_2:
0x48: {  	(tag) =	ssettag $0x2  }
0x49: {  	s0 =	rddreg [dreg:$0x0];
	s2 =	stileid.u32  }
0x4a: {  	s1 =	rddreg [dreg:$0x1];
	p0 =	sne.s32 s2, $0x0  }
0x4b: {  	s3 =	rddreg [dreg:$0x2];
	[bflag:$0x3] =	sbarrier.arrive $0xFFFF;
	s2 =	simm.s32 @!p0 $0x1C01  }
0x4c: {  	[timem:s3], [sflag:s2] =	dma.local @!p0 [hbm:s0], s1  }
0x4d: {  	s0 =	simm.s32 @!p0 $0x1  }
0x4e: {  	_ =	swait.ge @!p0 [sflag:s0], s1  }
0x4f: {  	s1 =	ssub.s32 @!p0 $0x0, s1;
	[sflag:s0] =	ssyncset.done @!p0 $0x0  }
0x50: {  	[sflag:s0] =	ssyncadd.s32 @!p0 s1  }
0x51: {  	[bflag:$0x3] =	sbarrier.arrive $0xFFFF  }
0x52: {  	_ =	shalt  }

</sc_bundles>
